<compile_context>
chip_gen: v7x
topology: tpu7x:2x2x1
jax: 0.10.2.dev20260603
libtpu: 0.0.44.dev20260713+nightly
codegen_flags: <defaults>
</compile_context>

<pallas_src>
import functools

import jax
import jax.numpy as jnp
from jax import lax
from jax.experimental import pallas as pl
from jax.experimental.pallas import tpu as pltpu
from jax.experimental.pallas import tpu_sc as plsc

_DIM = 128
_CHUNK = 64


@functools.partial(jax.jit, static_argnames=())
def _gather(timestep, pos_embd_matrix):
    info = plsc.get_sparse_core_info()
    nw = info.num_cores * info.num_subcores
    batch = timestep.shape[0]
    dim = pos_embd_matrix.shape[1]
    b_per_w = batch // nw
    n_chunks = b_per_w // _CHUNK

    vocab = pos_embd_matrix.shape[0]
    stage_step = 64
    stage_tail = vocab - 15 * stage_step
    idx3 = timestep.reshape(nw, n_chunks, _CHUNK)
    mesh = plsc.VectorSubcoreMesh(core_axis_name="c", subcore_axis_name="s")

    @functools.partial(
        pl.kernel,
        mesh=mesh,
        out_type=jax.ShapeDtypeStruct((batch, dim), jnp.float32),
        scratch_types=[
            pltpu.VMEM((n_chunks, _CHUNK), jnp.int32),
            pltpu.VMEM((b_per_w, dim), jnp.float32),
            pltpu.VMEM_SHARED((vocab, dim), jnp.float32),
            pltpu.SemaphoreType.DMA((n_chunks,)),
            pltpu.SemaphoreType.DMA,
            pltpu.SemaphoreType.DMA,
        ],
    )
    def k(idx_hbm, table_hbm, out_hbm, idx_v, rows_v, table_sp, gsems, wsem, ssem):
        sid = lax.axis_index("s")
        wid = sid * info.num_cores + lax.axis_index("c")
        base = wid * b_per_w
        @pl.when(sid < 15)
        def _stage_body():
            pltpu.make_async_copy(
                table_hbm.at[pl.ds(sid * stage_step, stage_step)],
                table_sp.at[pl.ds(sid * stage_step, stage_step)],
                ssem,
            ).start()
        @pl.when(sid == 15)
        def _stage_tail():
            pltpu.make_async_copy(
                table_hbm.at[pl.ds(15 * stage_step, stage_tail)],
                table_sp.at[pl.ds(15 * stage_step, stage_tail)],
                ssem,
            ).start()
        pltpu.sync_copy(idx_hbm.at[wid], idx_v)
        @pl.when(sid < 15)
        def _stage_body_wait():
            pltpu.make_async_copy(
                table_hbm.at[pl.ds(sid * stage_step, stage_step)],
                table_sp.at[pl.ds(sid * stage_step, stage_step)],
                ssem,
            ).wait()
        @pl.when(sid == 15)
        def _stage_tail_wait():
            pltpu.make_async_copy(
                table_hbm.at[pl.ds(15 * stage_step, stage_tail)],
                table_sp.at[pl.ds(15 * stage_step, stage_tail)],
                ssem,
            ).wait()
        plsc.subcore_barrier()
        gathers = []
        for j in range(n_chunks):
            c = pltpu.make_async_copy(
                table_sp.at[idx_v.at[j]],
                rows_v.at[pl.ds(j * _CHUNK, _CHUNK)],
                gsems.at[j],
            )
            c.start()
            gathers.append(c)
        writes = []
        for j in range(n_chunks):
            gathers[j].wait()
            w = pltpu.make_async_copy(
                rows_v.at[pl.ds(j * _CHUNK, _CHUNK)],
                out_hbm.at[pl.ds(base + j * _CHUNK, _CHUNK)],
                wsem,
            )
            w.start()
            writes.append(w)
        for w in writes:
            w.wait()

    return k(idx3, pos_embd_matrix)


def kernel(timestep, pos_embd_matrix):
    return _gather(timestep, pos_embd_matrix)

# --- scband reference (transcript-rebuilt; emitter-appended) ---
"""Pipeline reference for scband-transformer-positional-embedding-66992899883164 (READ-ONLY COPY).

The authoritative reference and input builder live on the scoring server;
editing this copy changes nothing except your own understanding.
"""

import jax, jax.numpy as jnp
import numpy as np

DIM = 128
MAX_T = 1000
BATCH = 16384


def _build_table():
    # Faithful translation of the torch sinusoidal table construction.
    even_indices = jnp.arange(0, DIM, 2).astype(jnp.float32)
    log_term = jnp.log(jnp.array(10000.0, dtype=jnp.float32)) / DIM
    div_term = jnp.exp(even_indices * -log_term)
    timesteps = jnp.arange(MAX_T, dtype=jnp.float32)[:, None]
    mat = jnp.zeros((MAX_T, DIM), dtype=jnp.float32)
    mat = mat.at[:, 0::2].set(jnp.sin(timesteps * div_term))
    mat = mat.at[:, 1::2].set(jnp.cos(timesteps * div_term))
    return mat


def setup_inputs(seed: int = 0) -> dict:
    key = jax.random.key(seed)
    timestep = jax.random.randint(key, (BATCH,), 0, MAX_T, dtype=jnp.int32)
    pos_embd_matrix = _build_table()
    return {"timestep": timestep, "pos_embd_matrix": pos_embd_matrix}


def reference(timestep, pos_embd_matrix):
    # forward: row-gather from the precomputed sinusoidal table
    return jnp.take(pos_embd_matrix, timestep, axis=0)

if __name__ == "__main__":
    import jax
    _d = setup_inputs()
    print(jax.jit(kernel)(*tuple(_d.values())))

</pallas_src>

<mosaic_0001>
#map = affine_map<(d0, d1) -> (0, 0, 0)>
#map1 = affine_map<(d0, d1) -> (0, 0)>
module attributes {stable_mosaic.version = 14 : i64} {
  func.func @k(%arg0: i32, %arg1: i32, %arg2: memref<32x8x64xi32, #tpu.memory_space<hbm>>, %arg3: memref<1000x128xf32, #tpu.memory_space<hbm>>, %arg4: memref<16384x128xf32, #tpu.memory_space<hbm>>, %arg5: memref<8x64xi32, #tpu.memory_space<vmem>>, %arg6: memref<512x128xf32, #tpu.memory_space<vmem>>, %arg7: memref<1000x128xf32, #tpu.memory_space<vmem_shared>>, %arg8: memref<8x!tpu.dma_semaphore, #tpu.memory_space<semaphore_mem>>, %arg9: memref<!tpu.dma_semaphore, #tpu.memory_space<semaphore_mem>>, %arg10: memref<!tpu.dma_semaphore, #tpu.memory_space<semaphore_mem>>) attributes {dimension_semantics = [#tpu.dimension_semantics<core_parallel>, #tpu.dimension_semantics<subcore_parallel>], iteration_bounds = array<i64: 2, 16>, scalar_prefetch = 0 : i64, scratch_operands = 6 : i64, tpu.core_type = #tpu.core_type<sc_vector_subcore>, window_params = [{transform_indices = #map}, {transform_indices = #map1}, {transform_indices = #map1}]} {
    %mul3A = arith.constant 2 : i32
    %mul3A_0 = arith.muli %arg1, %mul3A : i32
    %add3A = arith.addi %mul3A_0, %arg0 : i32
    %mul3A_1 = arith.constant 512 : i32
    %mul3A_2 = arith.muli %add3A, %mul3A_1 : i32
    %lt3A = arith.constant 15 : i32
    %lt3A_3 = arith.cmpi slt, %arg1, %lt3A : i32
    %convert_element_type3A = arith.extui %lt3A_3 : i1 to i32
    %cond3A = arith.constant 0 : i32
    %cond3A_4 = arith.cmpi ne, %convert_element_type3A, %cond3A : i32
    scf.if %cond3A_4 {
      %mul3A_401 = arith.constant 64 : i32
      %mul3A_402 = arith.muli %arg1, %mul3A_401 : i32
      %mul3A_403 = arith.constant 64 : i32
      %mul3A_404 = arith.muli %arg1, %mul3A_403 : i32
      %dma_start3A_405 = arith.constant 0 : i32
      %dma_start3A_406 = tpu.memref_slice %arg7[%mul3A_404, %dma_start3A_405] : memref<1000x128xf32, #tpu.memory_space<vmem_shared>> -> memref<64x128xf32, #tpu.memory_space<vmem_shared>>
      %dma_start3A_407 = arith.constant 0 : i32
      %dma_start3A_408 = tpu.memref_slice %arg3[%mul3A_402, %dma_start3A_407] : memref<1000x128xf32, #tpu.memory_space<hbm>> -> memref<64x128xf32, #tpu.memory_space<hbm>>
      tpu.enqueue_dma source(%dma_start3A_408 : memref<64x128xf32, #tpu.memory_space<hbm>>) target(%dma_start3A_406 : memref<64x128xf32, #tpu.memory_space<vmem_shared>>) target_semaphore(%arg10 : memref<!tpu.dma_semaphore, #tpu.memory_space<semaphore_mem>>)
    } else {
    }
    %eq3A = arith.constant 15 : i32
    %eq3A_5 = arith.cmpi eq, %arg1, %eq3A : i32
    %convert_element_type3A_6 = arith.extui %eq3A_5 : i1 to i32
    %cond3A_7 = arith.constant 0 : i32
    %cond3A_8 = arith.cmpi ne, %convert_element_type3A_6, %cond3A_7 : i32
    scf.if %cond3A_8 {
      %dma_start3A_401 = arith.constant 960 : i32
      %dma_start3A_402 = arith.constant 0 : i32
      %dma_start3A_403 = tpu.memref_slice %arg7[%dma_start3A_401, %dma_start3A_402] : memref<1000x128xf32, #tpu.memory_space<vmem_shared>> -> memref<40x128xf32, #tpu.memory_space<vmem_shared>>
      %dma_start3A_404 = arith.constant 960 : i32
      %dma_start3A_405 = arith.constant 0 : i32
      %dma_start3A_406 = tpu.memref_slice %arg3[%dma_start3A_404, %dma_start3A_405] : memref<1000x128xf32, #tpu.memory_space<hbm>> -> memref<40x128xf32, #tpu.memory_space<hbm>>
      tpu.enqueue_dma source(%dma_start3A_406 : memref<40x128xf32, #tpu.memory_space<hbm>>) target(%dma_start3A_403 : memref<40x128xf32, #tpu.memory_space<vmem_shared>>) target_semaphore(%arg10 : memref<!tpu.dma_semaphore, #tpu.memory_space<semaphore_mem>>)
    } else {
    }
    "tpu.region"() ({
      %run_scoped3A = tpu.sem_alloc : memref<!tpu.dma_semaphore, #tpu.memory_space<semaphore_mem>>
      %dma_start3A_401 = arith.constant 0 : i32
      %dma_start3A_402 = arith.constant 0 : i32
      %dma_start3A_403 = tpu.memref_slice %arg2[%add3A, %dma_start3A_401, %dma_start3A_402] : memref<32x8x64xi32, #tpu.memory_space<hbm>> -> memref<1x8x64xi32, #tpu.memory_space<hbm>>
      %dma_start3A_404 = tpu.memref_squeeze %dma_start3A_403 : memref<1x8x64xi32, #tpu.memory_space<hbm>> -> memref<8x64xi32, #tpu.memory_space<hbm>>
      %dma_start3A_405 = arith.constant 0 : i32
      %dma_start3A_406 = arith.constant 0 : i32
      %dma_start3A_407 = tpu.memref_slice %arg2[%add3A, %dma_start3A_405, %dma_start3A_406] : memref<32x8x64xi32, #tpu.memory_space<hbm>> -> memref<1x8x64xi32, #tpu.memory_space<hbm>>
      %dma_start3A_408 = tpu.memref_squeeze %dma_start3A_407 : memref<1x8x64xi32, #tpu.memory_space<hbm>> -> memref<8x64xi32, #tpu.memory_space<hbm>>
      tpu.enqueue_dma source(%dma_start3A_408 : memref<8x64xi32, #tpu.memory_space<hbm>>) target(%arg5 : memref<8x64xi32, #tpu.memory_space<vmem>>) target_semaphore(%run_scoped3A : memref<!tpu.dma_semaphore, #tpu.memory_space<semaphore_mem>>)
      %dma_wait3A_409 = arith.constant 0 : i32
      %dma_wait3A_410 = arith.constant 0 : i32
      %dma_wait3A_411 = tpu.memref_slice %arg2[%add3A, %dma_wait3A_409, %dma_wait3A_410] : memref<32x8x64xi32, #tpu.memory_space<hbm>> -> memref<1x8x64xi32, #tpu.memory_space<hbm>>
      %dma_wait3A_412 = tpu.memref_squeeze %dma_wait3A_411 : memref<1x8x64xi32, #tpu.memory_space<hbm>> -> memref<8x64xi32, #tpu.memory_space<hbm>>
      %dma_wait3A_413 = arith.constant 0 : i32
      %dma_wait3A_414 = arith.constant 0 : i32
      %dma_wait3A_415 = tpu.memref_slice %arg2[%add3A, %dma_wait3A_413, %dma_wait3A_414] : memref<32x8x64xi32, #tpu.memory_space<hbm>> -> memref<1x8x64xi32, #tpu.memory_space<hbm>>
      %dma_wait3A_416 = tpu.memref_squeeze %dma_wait3A_415 : memref<1x8x64xi32, #tpu.memory_space<hbm>> -> memref<8x64xi32, #tpu.memory_space<hbm>>
      tpu.wait_dma2 semaphore(%run_scoped3A : memref<!tpu.dma_semaphore, #tpu.memory_space<semaphore_mem>>) src(%dma_wait3A_416 : memref<8x64xi32, #tpu.memory_space<hbm>>) dst(%arg5 : memref<8x64xi32, #tpu.memory_space<vmem>>)
      tpu.yield
    }) : () -> ()
    %lt3A_9 = arith.constant 15 : i32
    %lt3A_10 = arith.cmpi slt, %arg1, %lt3A_9 : i32
    %convert_element_type3A_11 = arith.extui %lt3A_10 : i1 to i32
    %cond3A_12 = arith.constant 0 : i32
    %cond3A_13 = arith.cmpi ne, %convert_element_type3A_11, %cond3A_12 : i32
    scf.if %cond3A_13 {
      %mul3A_401 = arith.constant 64 : i32
      %mul3A_402 = arith.muli %arg1, %mul3A_401 : i32
      %mul3A_403 = arith.constant 64 : i32
      %mul3A_404 = arith.muli %arg1, %mul3A_403 : i32
      %dma_wait3A_405 = arith.constant 0 : i32
      %dma_wait3A_406 = tpu.memref_slice %arg7[%mul3A_404, %dma_wait3A_405] : memref<1000x128xf32, #tpu.memory_space<vmem_shared>> -> memref<64x128xf32, #tpu.memory_space<vmem_shared>>
      %dma_wait3A_407 = arith.constant 0 : i32
      %dma_wait3A_408 = tpu.memref_slice %arg3[%mul3A_402, %dma_wait3A_407] : memref<1000x128xf32, #tpu.memory_space<hbm>> -> memref<64x128xf32, #tpu.memory_space<hbm>>
      tpu.wait_dma2 semaphore(%arg10 : memref<!tpu.dma_semaphore, #tpu.memory_space<semaphore_mem>>) src(%dma_wait3A_408 : memref<64x128xf32, #tpu.memory_space<hbm>>) dst(%dma_wait3A_406 : memref<64x128xf32, #tpu.memory_space<vmem_shared>>)
    } else {
    }
    %eq3A_14 = arith.constant 15 : i32
    %eq3A_15 = arith.cmpi eq, %arg1, %eq3A_14 : i32
    %convert_element_type3A_16 = arith.extui %eq3A_15 : i1 to i32
    %cond3A_17 = arith.constant 0 : i32
    %cond3A_18 = arith.cmpi ne, %convert_element_type3A_16, %cond3A_17 : i32
    scf.if %cond3A_18 {
      %dma_wait3A_401 = arith.constant 960 : i32
      %dma_wait3A_402 = arith.constant 0 : i32
      %dma_wait3A_403 = tpu.memref_slice %arg7[%dma_wait3A_401, %dma_wait3A_402] : memref<1000x128xf32, #tpu.memory_space<vmem_shared>> -> memref<40x128xf32, #tpu.memory_space<vmem_shared>>
      %dma_wait3A_404 = arith.constant 960 : i32
      %dma_wait3A_405 = arith.constant 0 : i32
      %dma_wait3A_406 = tpu.memref_slice %arg3[%dma_wait3A_404, %dma_wait3A_405] : memref<1000x128xf32, #tpu.memory_space<hbm>> -> memref<40x128xf32, #tpu.memory_space<hbm>>
      tpu.wait_dma2 semaphore(%arg10 : memref<!tpu.dma_semaphore, #tpu.memory_space<semaphore_mem>>) src(%dma_wait3A_406 : memref<40x128xf32, #tpu.memory_space<hbm>>) dst(%dma_wait3A_403 : memref<40x128xf32, #tpu.memory_space<vmem_shared>>)
    } else {
    }
    %barrier3A = arith.constant 0 : index
    tpu.barrier barrier_id(%barrier3A)
    %dma_start3A = arith.constant 0 : i32
    %dma_start3A_19 = arith.constant 0 : i32
    %dma_start3A_20 = arith.constant 0 : i32
    %dma_start3A_21 = arith.constant 0 : i32
    %dma_start3A_22 = tpu.memref_slice %arg6[%dma_start3A_20, %dma_start3A_21] : memref<512x128xf32, #tpu.memory_space<vmem>> -> memref<64x128xf32, #tpu.memory_space<vmem>>
    %dma_start3A_23 = arith.constant 0 : i32
    %dma_start3A_24 = tpu.memref_slice %arg5[%dma_start3A, %dma_start3A_23] : memref<8x64xi32, #tpu.memory_space<vmem>> -> memref<1x64xi32, #tpu.memory_space<vmem>>
    %dma_start3A_25 = tpu.memref_squeeze %dma_start3A_24 : memref<1x64xi32, #tpu.memory_space<vmem>> -> memref<64xi32, #tpu.memory_space<vmem>>
    %dma_start3A_26 = arith.constant 0 : i32
    %dma_start3A_27 = arith.constant 0 : i32
    %dma_start3A_28 = tpu.memref_slice %arg7[%dma_start3A_26, %dma_start3A_27] : memref<1000x128xf32, #tpu.memory_space<vmem_shared>> -> memref<1000x128xf32, #tpu.memory_space<vmem_shared>>
    %dma_start3A_29 = tpu.memref_slice %arg8[%dma_start3A_19] : memref<8x!tpu.dma_semaphore, #tpu.memory_space<semaphore_mem>> -> memref<1x!tpu.dma_semaphore, #tpu.memory_space<semaphore_mem>>
    %dma_start3A_30 = tpu.memref_squeeze %dma_start3A_29 : memref<1x!tpu.dma_semaphore, #tpu.memory_space<semaphore_mem>> -> memref<!tpu.dma_semaphore, #tpu.memory_space<semaphore_mem>>
    tpu.enqueue_indirect_dma source(%dma_start3A_28 : memref<1000x128xf32, #tpu.memory_space<vmem_shared>>) target(%dma_start3A_22 : memref<64x128xf32, #tpu.memory_space<vmem>>) offsets(%dma_start3A_25 : memref<64xi32, #tpu.memory_space<vmem>>) semaphore(%dma_start3A_30 : memref<!tpu.dma_semaphore, #tpu.memory_space<semaphore_mem>>)
    %dma_start3A_31 = arith.constant 1 : i32
    %dma_start3A_32 = arith.constant 1 : i32
    %dma_start3A_33 = arith.constant 64 : i32
    %dma_start3A_34 = arith.constant 0 : i32
    %dma_start3A_35 = tpu.memref_slice %arg6[%dma_start3A_33, %dma_start3A_34] : memref<512x128xf32, #tpu.memory_space<vmem>> -> memref<64x128xf32, #tpu.memory_space<vmem>>
    %dma_start3A_36 = arith.constant 0 : i32
    %dma_start3A_37 = tpu.memref_slice %arg5[%dma_start3A_31, %dma_start3A_36] : memref<8x64xi32, #tpu.memory_space<vmem>> -> memref<1x64xi32, #tpu.memory_space<vmem>>
    %dma_start3A_38 = tpu.memref_squeeze %dma_start3A_37 : memref<1x64xi32, #tpu.memory_space<vmem>> -> memref<64xi32, #tpu.memory_space<vmem>>
    %dma_start3A_39 = arith.constant 0 : i32
    %dma_start3A_40 = arith.constant 0 : i32
    %dma_start3A_41 = tpu.memref_slice %arg7[%dma_start3A_39, %dma_start3A_40] : memref<1000x128xf32, #tpu.memory_space<vmem_shared>> -> memref<1000x128xf32, #tpu.memory_space<vmem_shared>>
    %dma_start3A_42 = tpu.memref_slice %arg8[%dma_start3A_32] : memref<8x!tpu.dma_semaphore, #tpu.memory_space<semaphore_mem>> -> memref<1x!tpu.dma_semaphore, #tpu.memory_space<semaphore_mem>>
    %dma_start3A_43 = tpu.memref_squeeze %dma_start3A_42 : memref<1x!tpu.dma_semaphore, #tpu.memory_space<semaphore_mem>> -> memref<!tpu.dma_semaphore, #tpu.memory_space<semaphore_mem>>
    tpu.enqueue_indirect_dma source(%dma_start3A_41 : memref<1000x128xf32, #tpu.memory_space<vmem_shared>>) target(%dma_start3A_35 : memref<64x128xf32, #tpu.memory_space<vmem>>) offsets(%dma_start3A_38 : memref<64xi32, #tpu.memory_space<vmem>>) semaphore(%dma_start3A_43 : memref<!tpu.dma_semaphore, #tpu.memory_space<semaphore_mem>>)
    %dma_start3A_44 = arith.constant 2 : i32
    %dma_start3A_45 = arith.constant 2 : i32
    %dma_start3A_46 = arith.constant 128 : i32
    %dma_start3A_47 = arith.constant 0 : i32
    %dma_start3A_48 = tpu.memref_slice %arg6[%dma_start3A_46, %dma_start3A_47] : memref<512x128xf32, #tpu.memory_space<vmem>> -> memref<64x128xf32, #tpu.memory_space<vmem>>
    %dma_start3A_49 = arith.constant 0 : i32
    %dma_start3A_50 = tpu.memref_slice %arg5[%dma_start3A_44, %dma_start3A_49] : memref<8x64xi32, #tpu.memory_space<vmem>> -> memref<1x64xi32, #tpu.memory_space<vmem>>
    %dma_start3A_51 = tpu.memref_squeeze %dma_start3A_50 : memref<1x64xi32, #tpu.memory_space<vmem>> -> memref<64xi32, #tpu.memory_space<vmem>>
    %dma_start3A_52 = arith.constant 0 : i32
    %dma_start3A_53 = arith.constant 0 : i32
    %dma_start3A_54 = tpu.memref_slice %arg7[%dma_start3A_52, %dma_start3A_53] : memref<1000x128xf32, #tpu.memory_space<vmem_shared>> -> memref<1000x128xf32, #tpu.memory_space<vmem_shared>>
    %dma_start3A_55 = tpu.memref_slice %arg8[%dma_start3A_45] : memref<8x!tpu.dma_semaphore, #tpu.memory_space<semaphore_mem>> -> memref<1x!tpu.dma_semaphore, #tpu.memory_space<semaphore_mem>>
    %dma_start3A_56 = tpu.memref_squeeze %dma_start3A_55 : memref<1x!tpu.dma_semaphore, #tpu.memory_space<semaphore_mem>> -> memref<!tpu.dma_semaphore, #tpu.memory_space<semaphore_mem>>
    tpu.enqueue_indirect_dma source(%dma_start3A_54 : memref<1000x128xf32, #tpu.memory_space<vmem_shared>>) target(%dma_start3A_48 : memref<64x128xf32, #tpu.memory_space<vmem>>) offsets(%dma_start3A_51 : memref<64xi32, #tpu.memory_space<vmem>>) semaphore(%dma_start3A_56 : memref<!tpu.dma_semaphore, #tpu.memory_space<semaphore_mem>>)
    %dma_start3A_57 = arith.constant 3 : i32
    %dma_start3A_58 = arith.constant 3 : i32
    %dma_start3A_59 = arith.constant 192 : i32
    %dma_start3A_60 = arith.constant 0 : i32
    %dma_start3A_61 = tpu.memref_slice %arg6[%dma_start3A_59, %dma_start3A_60] : memref<512x128xf32, #tpu.memory_space<vmem>> -> memref<64x128xf32, #tpu.memory_space<vmem>>
    %dma_start3A_62 = arith.constant 0 : i32
    %dma_start3A_63 = tpu.memref_slice %arg5[%dma_start3A_57, %dma_start3A_62] : memref<8x64xi32, #tpu.memory_space<vmem>> -> memref<1x64xi32, #tpu.memory_space<vmem>>
    %dma_start3A_64 = tpu.memref_squeeze %dma_start3A_63 : memref<1x64xi32, #tpu.memory_space<vmem>> -> memref<64xi32, #tpu.memory_space<vmem>>
    %dma_start3A_65 = arith.constant 0 : i32
    %dma_start3A_66 = arith.constant 0 : i32
    %dma_start3A_67 = tpu.memref_slice %arg7[%dma_start3A_65, %dma_start3A_66] : memref<1000x128xf32, #tpu.memory_space<vmem_shared>> -> memref<1000x128xf32, #tpu.memory_space<vmem_shared>>
    %dma_start3A_68 = tpu.memref_slice %arg8[%dma_start3A_58] : memref<8x!tpu.dma_semaphore, #tpu.memory_space<semaphore_mem>> -> memref<1x!tpu.dma_semaphore, #tpu.memory_space<semaphore_mem>>
    %dma_start3A_69 = tpu.memref_squeeze %dma_start3A_68 : memref<1x!tpu.dma_semaphore, #tpu.memory_space<semaphore_mem>> -> memref<!tpu.dma_semaphore, #tpu.memory_space<semaphore_mem>>
    tpu.enqueue_indirect_dma source(%dma_start3A_67 : memref<1000x128xf32, #tpu.memory_space<vmem_shared>>) target(%dma_start3A_61 : memref<64x128xf32, #tpu.memory_space<vmem>>) offsets(%dma_start3A_64 : memref<64xi32, #tpu.memory_space<vmem>>) semaphore(%dma_start3A_69 : memref<!tpu.dma_semaphore, #tpu.memory_space<semaphore_mem>>)
    %dma_start3A_70 = arith.constant 4 : i32
    %dma_start3A_71 = arith.constant 4 : i32
    %dma_start3A_72 = arith.constant 256 : i32
    %dma_start3A_73 = arith.constant 0 : i32
    %dma_start3A_74 = tpu.memref_slice %arg6[%dma_start3A_72, %dma_start3A_73] : memref<512x128xf32, #tpu.memory_space<vmem>> -> memref<64x128xf32, #tpu.memory_space<vmem>>
    %dma_start3A_75 = arith.constant 0 : i32
    %dma_start3A_76 = tpu.memref_slice %arg5[%dma_start3A_70, %dma_start3A_75] : memref<8x64xi32, #tpu.memory_space<vmem>> -> memref<1x64xi32, #tpu.memory_space<vmem>>
    %dma_start3A_77 = tpu.memref_squeeze %dma_start3A_76 : memref<1x64xi32, #tpu.memory_space<vmem>> -> memref<64xi32, #tpu.memory_space<vmem>>
    %dma_start3A_78 = arith.constant 0 : i32
    %dma_start3A_79 = arith.constant 0 : i32
    %dma_start3A_80 = tpu.memref_slice %arg7[%dma_start3A_78, %dma_start3A_79] : memref<1000x128xf32, #tpu.memory_space<vmem_shared>> -> memref<1000x128xf32, #tpu.memory_space<vmem_shared>>
    %dma_start3A_81 = tpu.memref_slice %arg8[%dma_start3A_71] : memref<8x!tpu.dma_semaphore, #tpu.memory_space<semaphore_mem>> -> memref<1x!tpu.dma_semaphore, #tpu.memory_space<semaphore_mem>>
    %dma_start3A_82 = tpu.memref_squeeze %dma_start3A_81 : memref<1x!tpu.dma_semaphore, #tpu.memory_space<semaphore_mem>> -> memref<!tpu.dma_semaphore, #tpu.memory_space<semaphore_mem>>
    tpu.enqueue_indirect_dma source(%dma_start3A_80 : memref<1000x128xf32, #tpu.memory_space<vmem_shared>>) target(%dma_start3A_74 : memref<64x128xf32, #tpu.memory_space<vmem>>) offsets(%dma_start3A_77 : memref<64xi32, #tpu.memory_space<vmem>>) semaphore(%dma_start3A_82 : memref<!tpu.dma_semaphore, #tpu.memory_space<semaphore_mem>>)
    %dma_start3A_83 = arith.constant 5 : i32
    %dma_start3A_84 = arith.constant 5 : i32
    %dma_start3A_85 = arith.constant 320 : i32
    %dma_start3A_86 = arith.constant 0 : i32
    %dma_start3A_87 = tpu.memref_slice %arg6[%dma_start3A_85, %dma_start3A_86] : memref<512x128xf32, #tpu.memory_space<vmem>> -> memref<64x128xf32, #tpu.memory_space<vmem>>
    %dma_start3A_88 = arith.constant 0 : i32
    %dma_start3A_89 = tpu.memref_slice %arg5[%dma_start3A_83, %dma_start3A_88] : memref<8x64xi32, #tpu.memory_space<vmem>> -> memref<1x64xi32, #tpu.memory_space<vmem>>
    %dma_start3A_90 = tpu.memref_squeeze %dma_start3A_89 : memref<1x64xi32, #tpu.memory_space<vmem>> -> memref<64xi32, #tpu.memory_space<vmem>>
    %dma_start3A_91 = arith.constant 0 : i32
    %dma_start3A_92 = arith.constant 0 : i32
    %dma_start3A_93 = tpu.memref_slice %arg7[%dma_start3A_91, %dma_start3A_92] : memref<1000x128xf32, #tpu.memory_space<vmem_shared>> -> memref<1000x128xf32, #tpu.memory_space<vmem_shared>>
    %dma_start3A_94 = tpu.memref_slice %arg8[%dma_start3A_84] : memref<8x!tpu.dma_semaphore, #tpu.memory_space<semaphore_mem>> -> memref<1x!tpu.dma_semaphore, #tpu.memory_space<semaphore_mem>>
    %dma_start3A_95 = tpu.memref_squeeze %dma_start3A_94 : memref<1x!tpu.dma_semaphore, #tpu.memory_space<semaphore_mem>> -> memref<!tpu.dma_semaphore, #tpu.memory_space<semaphore_mem>>
    tpu.enqueue_indirect_dma source(%dma_start3A_93 : memref<1000x128xf32, #tpu.memory_space<vmem_shared>>) target(%dma_start3A_87 : memref<64x128xf32, #tpu.memory_space<vmem>>) offsets(%dma_start3A_90 : memref<64xi32, #tpu.memory_space<vmem>>) semaphore(%dma_start3A_95 : memref<!tpu.dma_semaphore, #tpu.memory_space<semaphore_mem>>)
    %dma_start3A_96 = arith.constant 6 : i32
    %dma_start3A_97 = arith.constant 6 : i32
    %dma_start3A_98 = arith.constant 384 : i32
    %dma_start3A_99 = arith.constant 0 : i32
    %dma_start3A_100 = tpu.memref_slice %arg6[%dma_start3A_98, %dma_start3A_99] : memref<512x128xf32, #tpu.memory_space<vmem>> -> memref<64x128xf32, #tpu.memory_space<vmem>>
    %dma_start3A_101 = arith.constant 0 : i32
    %dma_start3A_102 = tpu.memref_slice %arg5[%dma_start3A_96, %dma_start3A_101] : memref<8x64xi32, #tpu.memory_space<vmem>> -> memref<1x64xi32, #tpu.memory_space<vmem>>
    %dma_start3A_103 = tpu.memref_squeeze %dma_start3A_102 : memref<1x64xi32, #tpu.memory_space<vmem>> -> memref<64xi32, #tpu.memory_space<vmem>>
    %dma_start3A_104 = arith.constant 0 : i32
    %dma_start3A_105 = arith.constant 0 : i32
    %dma_start3A_106 = tpu.memref_slice %arg7[%dma_start3A_104, %dma_start3A_105] : memref<1000x128xf32, #tpu.memory_space<vmem_shared>> -> memref<1000x128xf32, #tpu.memory_space<vmem_shared>>
    %dma_start3A_107 = tpu.memref_slice %arg8[%dma_start3A_97] : memref<8x!tpu.dma_semaphore, #tpu.memory_space<semaphore_mem>> -> memref<1x!tpu.dma_semaphore, #tpu.memory_space<semaphore_mem>>
    %dma_start3A_108 = tpu.memref_squeeze %dma_start3A_107 : memref<1x!tpu.dma_semaphore, #tpu.memory_space<semaphore_mem>> -> memref<!tpu.dma_semaphore, #tpu.memory_space<semaphore_mem>>
    tpu.enqueue_indirect_dma source(%dma_start3A_106 : memref<1000x128xf32, #tpu.memory_space<vmem_shared>>) target(%dma_start3A_100 : memref<64x128xf32, #tpu.memory_space<vmem>>) offsets(%dma_start3A_103 : memref<64xi32, #tpu.memory_space<vmem>>) semaphore(%dma_start3A_108 : memref<!tpu.dma_semaphore, #tpu.memory_space<semaphore_mem>>)
    %dma_start3A_109 = arith.constant 7 : i32
    %dma_start3A_110 = arith.constant 7 : i32
    %dma_start3A_111 = arith.constant 448 : i32
    %dma_start3A_112 = arith.constant 0 : i32
    %dma_start3A_113 = tpu.memref_slice %arg6[%dma_start3A_111, %dma_start3A_112] : memref<512x128xf32, #tpu.memory_space<vmem>> -> memref<64x128xf32, #tpu.memory_space<vmem>>
    %dma_start3A_114 = arith.constant 0 : i32
    %dma_start3A_115 = tpu.memref_slice %arg5[%dma_start3A_109, %dma_start3A_114] : memref<8x64xi32, #tpu.memory_space<vmem>> -> memref<1x64xi32, #tpu.memory_space<vmem>>
    %dma_start3A_116 = tpu.memref_squeeze %dma_start3A_115 : memref<1x64xi32, #tpu.memory_space<vmem>> -> memref<64xi32, #tpu.memory_space<vmem>>
    %dma_start3A_117 = arith.constant 0 : i32
    %dma_start3A_118 = arith.constant 0 : i32
    %dma_start3A_119 = tpu.memref_slice %arg7[%dma_start3A_117, %dma_start3A_118] : memref<1000x128xf32, #tpu.memory_space<vmem_shared>> -> memref<1000x128xf32, #tpu.memory_space<vmem_shared>>
    %dma_start3A_120 = tpu.memref_slice %arg8[%dma_start3A_110] : memref<8x!tpu.dma_semaphore, #tpu.memory_space<semaphore_mem>> -> memref<1x!tpu.dma_semaphore, #tpu.memory_space<semaphore_mem>>
    %dma_start3A_121 = tpu.memref_squeeze %dma_start3A_120 : memref<1x!tpu.dma_semaphore, #tpu.memory_space<semaphore_mem>> -> memref<!tpu.dma_semaphore, #tpu.memory_space<semaphore_mem>>
    tpu.enqueue_indirect_dma source(%dma_start3A_119 : memref<1000x128xf32, #tpu.memory_space<vmem_shared>>) target(%dma_start3A_113 : memref<64x128xf32, #tpu.memory_space<vmem>>) offsets(%dma_start3A_116 : memref<64xi32, #tpu.memory_space<vmem>>) semaphore(%dma_start3A_121 : memref<!tpu.dma_semaphore, #tpu.memory_space<semaphore_mem>>)
    %dma_wait3A = arith.constant 0 : i32
    %dma_wait3A_122 = arith.constant 0 : i32
    %dma_wait3A_123 = arith.constant 0 : i32
    %dma_wait3A_124 = arith.constant 0 : i32
    %dma_wait3A_125 = tpu.memref_slice %arg6[%dma_wait3A_123, %dma_wait3A_124] : memref<512x128xf32, #tpu.memory_space<vmem>> -> memref<64x128xf32, #tpu.memory_space<vmem>>
    %dma_wait3A_126 = arith.constant 0 : i32
    %dma_wait3A_127 = tpu.memref_slice %arg5[%dma_wait3A, %dma_wait3A_126] : memref<8x64xi32, #tpu.memory_space<vmem>> -> memref<1x64xi32, #tpu.memory_space<vmem>>
    %dma_wait3A_128 = tpu.memref_squeeze %dma_wait3A_127 : memref<1x64xi32, #tpu.memory_space<vmem>> -> memref<64xi32, #tpu.memory_space<vmem>>
    %dma_wait3A_129 = arith.constant 0 : i32
    %dma_wait3A_130 = arith.constant 0 : i32
    %dma_wait3A_131 = tpu.memref_slice %arg7[%dma_wait3A_129, %dma_wait3A_130] : memref<1000x128xf32, #tpu.memory_space<vmem_shared>> -> memref<1000x128xf32, #tpu.memory_space<vmem_shared>>
    %dma_wait3A_132 = tpu.memref_slice %arg8[%dma_wait3A_122] : memref<8x!tpu.dma_semaphore, #tpu.memory_space<semaphore_mem>> -> memref<1x!tpu.dma_semaphore, #tpu.memory_space<semaphore_mem>>
    %dma_wait3A_133 = tpu.memref_squeeze %dma_wait3A_132 : memref<1x!tpu.dma_semaphore, #tpu.memory_space<semaphore_mem>> -> memref<!tpu.dma_semaphore, #tpu.memory_space<semaphore_mem>>
    tpu.wait_indirect_dma semaphore(%dma_wait3A_133 : memref<!tpu.dma_semaphore, #tpu.memory_space<semaphore_mem>>) src(%dma_wait3A_131 : memref<1000x128xf32, #tpu.memory_space<vmem_shared>>) dst(%dma_wait3A_125 : memref<64x128xf32, #tpu.memory_space<vmem>>)
    %add3A_134 = arith.constant 0 : i32
    %add3A_135 = arith.addi %mul3A_2, %add3A_134 : i32
    %dma_start3A_136 = arith.constant 0 : i32
    %dma_start3A_137 = arith.constant 0 : i32
    %dma_start3A_138 = tpu.memref_slice %arg6[%dma_start3A_136, %dma_start3A_137] : memref<512x128xf32, #tpu.memory_space<vmem>> -> memref<64x128xf32, #tpu.memory_space<vmem>>
    %dma_start3A_139 = arith.constant 0 : i32
    %dma_start3A_140 = tpu.memref_slice %arg4[%add3A_135, %dma_start3A_139] : memref<16384x128xf32, #tpu.memory_space<hbm>> -> memref<64x128xf32, #tpu.memory_space<hbm>>
    %dma_start3A_141 = arith.constant 0 : i32
    %dma_start3A_142 = tpu.memref_slice %arg4[%add3A_135, %dma_start3A_141] : memref<16384x128xf32, #tpu.memory_space<hbm>> -> memref<64x128xf32, #tpu.memory_space<hbm>>
    %dma_start3A_143 = arith.constant 0 : i32
    %dma_start3A_144 = arith.constant 0 : i32
    %dma_start3A_145 = tpu.memref_slice %arg6[%dma_start3A_143, %dma_start3A_144] : memref<512x128xf32, #tpu.memory_space<vmem>> -> memref<64x128xf32, #tpu.memory_space<vmem>>
    tpu.enqueue_dma source(%dma_start3A_145 : memref<64x128xf32, #tpu.memory_space<vmem>>) target(%dma_start3A_142 : memref<64x128xf32, #tpu.memory_space<hbm>>) target_semaphore(%arg9 : memref<!tpu.dma_semaphore, #tpu.memory_space<semaphore_mem>>)
    %dma_wait3A_146 = arith.constant 1 : i32
    %dma_wait3A_147 = arith.constant 1 : i32
    %dma_wait3A_148 = arith.constant 64 : i32
    %dma_wait3A_149 = arith.constant 0 : i32
    %dma_wait3A_150 = tpu.memref_slice %arg6[%dma_wait3A_148, %dma_wait3A_149] : memref<512x128xf32, #tpu.memory_space<vmem>> -> memref<64x128xf32, #tpu.memory_space<vmem>>
    %dma_wait3A_151 = arith.constant 0 : i32
    %dma_wait3A_152 = tpu.memref_slice %arg5[%dma_wait3A_146, %dma_wait3A_151] : memref<8x64xi32, #tpu.memory_space<vmem>> -> memref<1x64xi32, #tpu.memory_space<vmem>>
    %dma_wait3A_153 = tpu.memref_squeeze %dma_wait3A_152 : memref<1x64xi32, #tpu.memory_space<vmem>> -> memref<64xi32, #tpu.memory_space<vmem>>
    %dma_wait3A_154 = arith.constant 0 : i32
    %dma_wait3A_155 = arith.constant 0 : i32
    %dma_wait3A_156 = tpu.memref_slice %arg7[%dma_wait3A_154, %dma_wait3A_155] : memref<1000x128xf32, #tpu.memory_space<vmem_shared>> -> memref<1000x128xf32, #tpu.memory_space<vmem_shared>>
    %dma_wait3A_157 = tpu.memref_slice %arg8[%dma_wait3A_147] : memref<8x!tpu.dma_semaphore, #tpu.memory_space<semaphore_mem>> -> memref<1x!tpu.dma_semaphore, #tpu.memory_space<semaphore_mem>>
    %dma_wait3A_158 = tpu.memref_squeeze %dma_wait3A_157 : memref<1x!tpu.dma_semaphore, #tpu.memory_space<semaphore_mem>> -> memref<!tpu.dma_semaphore, #tpu.memory_space<semaphore_mem>>
    tpu.wait_indirect_dma semaphore(%dma_wait3A_158 : memref<!tpu.dma_semaphore, #tpu.memory_space<semaphore_mem>>) src(%dma_wait3A_156 : memref<1000x128xf32, #tpu.memory_space<vmem_shared>>) dst(%dma_wait3A_150 : memref<64x128xf32, #tpu.memory_space<vmem>>)
    %add3A_159 = arith.constant 64 : i32
    %add3A_160 = arith.addi %mul3A_2, %add3A_159 : i32
    %dma_start3A_161 = arith.constant 64 : i32
    %dma_start3A_162 = arith.constant 0 : i32
    %dma_start3A_163 = tpu.memref_slice %arg6[%dma_start3A_161, %dma_start3A_162] : memref<512x128xf32, #tpu.memory_space<vmem>> -> memref<64x128xf32, #tpu.memory_space<vmem>>
    %dma_start3A_164 = arith.constant 0 : i32
    %dma_start3A_165 = tpu.memref_slice %arg4[%add3A_160, %dma_start3A_164] : memref<16384x128xf32, #tpu.memory_space<hbm>> -> memref<64x128xf32, #tpu.memory_space<hbm>>
    %dma_start3A_166 = arith.constant 0 : i32
    %dma_start3A_167 = tpu.memref_slice %arg4[%add3A_160, %dma_start3A_166] : memref<16384x128xf32, #tpu.memory_space<hbm>> -> memref<64x128xf32, #tpu.memory_space<hbm>>
    %dma_start3A_168 = arith.constant 64 : i32
    %dma_start3A_169 = arith.constant 0 : i32
    %dma_start3A_170 = tpu.memref_slice %arg6[%dma_start3A_168, %dma_start3A_169] : memref<512x128xf32, #tpu.memory_space<vmem>> -> memref<64x128xf32, #tpu.memory_space<vmem>>
    tpu.enqueue_dma source(%dma_start3A_170 : memref<64x128xf32, #tpu.memory_space<vmem>>) target(%dma_start3A_167 : memref<64x128xf32, #tpu.memory_space<hbm>>) target_semaphore(%arg9 : memref<!tpu.dma_semaphore, #tpu.memory_space<semaphore_mem>>)
    %dma_wait3A_171 = arith.constant 2 : i32
    %dma_wait3A_172 = arith.constant 2 : i32
    %dma_wait3A_173 = arith.constant 128 : i32
    %dma_wait3A_174 = arith.constant 0 : i32
    %dma_wait3A_175 = tpu.memref_slice %arg6[%dma_wait3A_173, %dma_wait3A_174] : memref<512x128xf32, #tpu.memory_space<vmem>> -> memref<64x128xf32, #tpu.memory_space<vmem>>
    %dma_wait3A_176 = arith.constant 0 : i32
    %dma_wait3A_177 = tpu.memref_slice %arg5[%dma_wait3A_171, %dma_wait3A_176] : memref<8x64xi32, #tpu.memory_space<vmem>> -> memref<1x64xi32, #tpu.memory_space<vmem>>
    %dma_wait3A_178 = tpu.memref_squeeze %dma_wait3A_177 : memref<1x64xi32, #tpu.memory_space<vmem>> -> memref<64xi32, #tpu.memory_space<vmem>>
    %dma_wait3A_179 = arith.constant 0 : i32
    %dma_wait3A_180 = arith.constant 0 : i32
    %dma_wait3A_181 = tpu.memref_slice %arg7[%dma_wait3A_179, %dma_wait3A_180] : memref<1000x128xf32, #tpu.memory_space<vmem_shared>> -> memref<1000x128xf32, #tpu.memory_space<vmem_shared>>
    %dma_wait3A_182 = tpu.memref_slice %arg8[%dma_wait3A_172] : memref<8x!tpu.dma_semaphore, #tpu.memory_space<semaphore_mem>> -> memref<1x!tpu.dma_semaphore, #tpu.memory_space<semaphore_mem>>
    %dma_wait3A_183 = tpu.memref_squeeze %dma_wait3A_182 : memref<1x!tpu.dma_semaphore, #tpu.memory_space<semaphore_mem>> -> memref<!tpu.dma_semaphore, #tpu.memory_space<semaphore_mem>>
    tpu.wait_indirect_dma semaphore(%dma_wait3A_183 : memref<!tpu.dma_semaphore, #tpu.memory_space<semaphore_mem>>) src(%dma_wait3A_181 : memref<1000x128xf32, #tpu.memory_space<vmem_shared>>) dst(%dma_wait3A_175 : memref<64x128xf32, #tpu.memory_space<vmem>>)
    %add3A_184 = arith.constant 128 : i32
    %add3A_185 = arith.addi %mul3A_2, %add3A_184 : i32
    %dma_start3A_186 = arith.constant 128 : i32
    %dma_start3A_187 = arith.constant 0 : i32
    %dma_start3A_188 = tpu.memref_slice %arg6[%dma_start3A_186, %dma_start3A_187] : memref<512x128xf32, #tpu.memory_space<vmem>> -> memref<64x128xf32, #tpu.memory_space<vmem>>
    %dma_start3A_189 = arith.constant 0 : i32
    %dma_start3A_190 = tpu.memref_slice %arg4[%add3A_185, %dma_start3A_189] : memref<16384x128xf32, #tpu.memory_space<hbm>> -> memref<64x128xf32, #tpu.memory_space<hbm>>
    %dma_start3A_191 = arith.constant 0 : i32
    %dma_start3A_192 = tpu.memref_slice %arg4[%add3A_185, %dma_start3A_191] : memref<16384x128xf32, #tpu.memory_space<hbm>> -> memref<64x128xf32, #tpu.memory_space<hbm>>
    %dma_start3A_193 = arith.constant 128 : i32
    %dma_start3A_194 = arith.constant 0 : i32
    %dma_start3A_195 = tpu.memref_slice %arg6[%dma_start3A_193, %dma_start3A_194] : memref<512x128xf32, #tpu.memory_space<vmem>> -> memref<64x128xf32, #tpu.memory_space<vmem>>
    tpu.enqueue_dma source(%dma_start3A_195 : memref<64x128xf32, #tpu.memory_space<vmem>>) target(%dma_start3A_192 : memref<64x128xf32, #tpu.memory_space<hbm>>) target_semaphore(%arg9 : memref<!tpu.dma_semaphore, #tpu.memory_space<semaphore_mem>>)
    %dma_wait3A_196 = arith.constant 3 : i32
    %dma_wait3A_197 = arith.constant 3 : i32
    %dma_wait3A_198 = arith.constant 192 : i32
    %dma_wait3A_199 = arith.constant 0 : i32
    %dma_wait3A_200 = tpu.memref_slice %arg6[%dma_wait3A_198, %dma_wait3A_199] : memref<512x128xf32, #tpu.memory_space<vmem>> -> memref<64x128xf32, #tpu.memory_space<vmem>>
    %dma_wait3A_201 = arith.constant 0 : i32
    %dma_wait3A_202 = tpu.memref_slice %arg5[%dma_wait3A_196, %dma_wait3A_201] : memref<8x64xi32, #tpu.memory_space<vmem>> -> memref<1x64xi32, #tpu.memory_space<vmem>>
    %dma_wait3A_203 = tpu.memref_squeeze %dma_wait3A_202 : memref<1x64xi32, #tpu.memory_space<vmem>> -> memref<64xi32, #tpu.memory_space<vmem>>
    %dma_wait3A_204 = arith.constant 0 : i32
    %dma_wait3A_205 = arith.constant 0 : i32
    %dma_wait3A_206 = tpu.memref_slice %arg7[%dma_wait3A_204, %dma_wait3A_205] : memref<1000x128xf32, #tpu.memory_space<vmem_shared>> -> memref<1000x128xf32, #tpu.memory_space<vmem_shared>>
    %dma_wait3A_207 = tpu.memref_slice %arg8[%dma_wait3A_197] : memref<8x!tpu.dma_semaphore, #tpu.memory_space<semaphore_mem>> -> memref<1x!tpu.dma_semaphore, #tpu.memory_space<semaphore_mem>>
    %dma_wait3A_208 = tpu.memref_squeeze %dma_wait3A_207 : memref<1x!tpu.dma_semaphore, #tpu.memory_space<semaphore_mem>> -> memref<!tpu.dma_semaphore, #tpu.memory_space<semaphore_mem>>
    tpu.wait_indirect_dma semaphore(%dma_wait3A_208 : memref<!tpu.dma_semaphore, #tpu.memory_space<semaphore_mem>>) src(%dma_wait3A_206 : memref<1000x128xf32, #tpu.memory_space<vmem_shared>>) dst(%dma_wait3A_200 : memref<64x128xf32, #tpu.memory_space<vmem>>)
    %add3A_209 = arith.constant 192 : i32
    %add3A_210 = arith.addi %mul3A_2, %add3A_209 : i32
    %dma_start3A_211 = arith.constant 192 : i32
    %dma_start3A_212 = arith.constant 0 : i32
    %dma_start3A_213 = tpu.memref_slice %arg6[%dma_start3A_211, %dma_start3A_212] : memref<512x128xf32, #tpu.memory_space<vmem>> -> memref<64x128xf32, #tpu.memory_space<vmem>>
    %dma_start3A_214 = arith.constant 0 : i32
    %dma_start3A_215 = tpu.memref_slice %arg4[%add3A_210, %dma_start3A_214] : memref<16384x128xf32, #tpu.memory_space<hbm>> -> memref<64x128xf32, #tpu.memory_space<hbm>>
    %dma_start3A_216 = arith.constant 0 : i32
    %dma_start3A_217 = tpu.memref_slice %arg4[%add3A_210, %dma_start3A_216] : memref<16384x128xf32, #tpu.memory_space<hbm>> -> memref<64x128xf32, #tpu.memory_space<hbm>>
    %dma_start3A_218 = arith.constant 192 : i32
    %dma_start3A_219 = arith.constant 0 : i32
    %dma_start3A_220 = tpu.memref_slice %arg6[%dma_start3A_218, %dma_start3A_219] : memref<512x128xf32, #tpu.memory_space<vmem>> -> memref<64x128xf32, #tpu.memory_space<vmem>>
    tpu.enqueue_dma source(%dma_start3A_220 : memref<64x128xf32, #tpu.memory_space<vmem>>) target(%dma_start3A_217 : memref<64x128xf32, #tpu.memory_space<hbm>>) target_semaphore(%arg9 : memref<!tpu.dma_semaphore, #tpu.memory_space<semaphore_mem>>)
    %dma_wait3A_221 = arith.constant 4 : i32
    %dma_wait3A_222 = arith.constant 4 : i32
    %dma_wait3A_223 = arith.constant 256 : i32
    %dma_wait3A_224 = arith.constant 0 : i32
    %dma_wait3A_225 = tpu.memref_slice %arg6[%dma_wait3A_223, %dma_wait3A_224] : memref<512x128xf32, #tpu.memory_space<vmem>> -> memref<64x128xf32, #tpu.memory_space<vmem>>
    %dma_wait3A_226 = arith.constant 0 : i32
    %dma_wait3A_227 = tpu.memref_slice %arg5[%dma_wait3A_221, %dma_wait3A_226] : memref<8x64xi32, #tpu.memory_space<vmem>> -> memref<1x64xi32, #tpu.memory_space<vmem>>
    %dma_wait3A_228 = tpu.memref_squeeze %dma_wait3A_227 : memref<1x64xi32, #tpu.memory_space<vmem>> -> memref<64xi32, #tpu.memory_space<vmem>>
    %dma_wait3A_229 = arith.constant 0 : i32
    %dma_wait3A_230 = arith.constant 0 : i32
    %dma_wait3A_231 = tpu.memref_slice %arg7[%dma_wait3A_229, %dma_wait3A_230] : memref<1000x128xf32, #tpu.memory_space<vmem_shared>> -> memref<1000x128xf32, #tpu.memory_space<vmem_shared>>
    %dma_wait3A_232 = tpu.memref_slice %arg8[%dma_wait3A_222] : memref<8x!tpu.dma_semaphore, #tpu.memory_space<semaphore_mem>> -> memref<1x!tpu.dma_semaphore, #tpu.memory_space<semaphore_mem>>
    %dma_wait3A_233 = tpu.memref_squeeze %dma_wait3A_232 : memref<1x!tpu.dma_semaphore, #tpu.memory_space<semaphore_mem>> -> memref<!tpu.dma_semaphore, #tpu.memory_space<semaphore_mem>>
    tpu.wait_indirect_dma semaphore(%dma_wait3A_233 : memref<!tpu.dma_semaphore, #tpu.memory_space<semaphore_mem>>) src(%dma_wait3A_231 : memref<1000x128xf32, #tpu.memory_space<vmem_shared>>) dst(%dma_wait3A_225 : memref<64x128xf32, #tpu.memory_space<vmem>>)
    %add3A_234 = arith.constant 256 : i32
    %add3A_235 = arith.addi %mul3A_2, %add3A_234 : i32
    %dma_start3A_236 = arith.constant 256 : i32
    %dma_start3A_237 = arith.constant 0 : i32
    %dma_start3A_238 = tpu.memref_slice %arg6[%dma_start3A_236, %dma_start3A_237] : memref<512x128xf32, #tpu.memory_space<vmem>> -> memref<64x128xf32, #tpu.memory_space<vmem>>
    %dma_start3A_239 = arith.constant 0 : i32
    %dma_start3A_240 = tpu.memref_slice %arg4[%add3A_235, %dma_start3A_239] : memref<16384x128xf32, #tpu.memory_space<hbm>> -> memref<64x128xf32, #tpu.memory_space<hbm>>
    %dma_start3A_241 = arith.constant 0 : i32
    %dma_start3A_242 = tpu.memref_slice %arg4[%add3A_235, %dma_start3A_241] : memref<16384x128xf32, #tpu.memory_space<hbm>> -> memref<64x128xf32, #tpu.memory_space<hbm>>
    %dma_start3A_243 = arith.constant 256 : i32
    %dma_start3A_244 = arith.constant 0 : i32
    %dma_start3A_245 = tpu.memref_slice %arg6[%dma_start3A_243, %dma_start3A_244] : memref<512x128xf32, #tpu.memory_space<vmem>> -> memref<64x128xf32, #tpu.memory_space<vmem>>
    tpu.enqueue_dma source(%dma_start3A_245 : memref<64x128xf32, #tpu.memory_space<vmem>>) target(%dma_start3A_242 : memref<64x128xf32, #tpu.memory_space<hbm>>) target_semaphore(%arg9 : memref<!tpu.dma_semaphore, #tpu.memory_space<semaphore_mem>>)
    %dma_wait3A_246 = arith.constant 5 : i32
    %dma_wait3A_247 = arith.constant 5 : i32
    %dma_wait3A_248 = arith.constant 320 : i32
    %dma_wait3A_249 = arith.constant 0 : i32
    %dma_wait3A_250 = tpu.memref_slice %arg6[%dma_wait3A_248, %dma_wait3A_249] : memref<512x128xf32, #tpu.memory_space<vmem>> -> memref<64x128xf32, #tpu.memory_space<vmem>>
    %dma_wait3A_251 = arith.constant 0 : i32
    %dma_wait3A_252 = tpu.memref_slice %arg5[%dma_wait3A_246, %dma_wait3A_251] : memref<8x64xi32, #tpu.memory_space<vmem>> -> memref<1x64xi32, #tpu.memory_space<vmem>>
    %dma_wait3A_253 = tpu.memref_squeeze %dma_wait3A_252 : memref<1x64xi32, #tpu.memory_space<vmem>> -> memref<64xi32, #tpu.memory_space<vmem>>
    %dma_wait3A_254 = arith.constant 0 : i32
    %dma_wait3A_255 = arith.constant 0 : i32
    %dma_wait3A_256 = tpu.memref_slice %arg7[%dma_wait3A_254, %dma_wait3A_255] : memref<1000x128xf32, #tpu.memory_space<vmem_shared>> -> memref<1000x128xf32, #tpu.memory_space<vmem_shared>>
    %dma_wait3A_257 = tpu.memref_slice %arg8[%dma_wait3A_247] : memref<8x!tpu.dma_semaphore, #tpu.memory_space<semaphore_mem>> -> memref<1x!tpu.dma_semaphore, #tpu.memory_space<semaphore_mem>>
    %dma_wait3A_258 = tpu.memref_squeeze %dma_wait3A_257 : memref<1x!tpu.dma_semaphore, #tpu.memory_space<semaphore_mem>> -> memref<!tpu.dma_semaphore, #tpu.memory_space<semaphore_mem>>
    tpu.wait_indirect_dma semaphore(%dma_wait3A_258 : memref<!tpu.dma_semaphore, #tpu.memory_space<semaphore_mem>>) src(%dma_wait3A_256 : memref<1000x128xf32, #tpu.memory_space<vmem_shared>>) dst(%dma_wait3A_250 : memref<64x128xf32, #tpu.memory_space<vmem>>)
    %add3A_259 = arith.constant 320 : i32
    %add3A_260 = arith.addi %mul3A_2, %add3A_259 : i32
    %dma_start3A_261 = arith.constant 320 : i32
    %dma_start3A_262 = arith.constant 0 : i32
    %dma_start3A_263 = tpu.memref_slice %arg6[%dma_start3A_261, %dma_start3A_262] : memref<512x128xf32, #tpu.memory_space<vmem>> -> memref<64x128xf32, #tpu.memory_space<vmem>>
    %dma_start3A_264 = arith.constant 0 : i32
    %dma_start3A_265 = tpu.memref_slice %arg4[%add3A_260, %dma_start3A_264] : memref<16384x128xf32, #tpu.memory_space<hbm>> -> memref<64x128xf32, #tpu.memory_space<hbm>>
    %dma_start3A_266 = arith.constant 0 : i32
    %dma_start3A_267 = tpu.memref_slice %arg4[%add3A_260, %dma_start3A_266] : memref<16384x128xf32, #tpu.memory_space<hbm>> -> memref<64x128xf32, #tpu.memory_space<hbm>>
    %dma_start3A_268 = arith.constant 320 : i32
    %dma_start3A_269 = arith.constant 0 : i32
    %dma_start3A_270 = tpu.memref_slice %arg6[%dma_start3A_268, %dma_start3A_269] : memref<512x128xf32, #tpu.memory_space<vmem>> -> memref<64x128xf32, #tpu.memory_space<vmem>>
    tpu.enqueue_dma source(%dma_start3A_270 : memref<64x128xf32, #tpu.memory_space<vmem>>) target(%dma_start3A_267 : memref<64x128xf32, #tpu.memory_space<hbm>>) target_semaphore(%arg9 : memref<!tpu.dma_semaphore, #tpu.memory_space<semaphore_mem>>)
    %dma_wait3A_271 = arith.constant 6 : i32
    %dma_wait3A_272 = arith.constant 6 : i32
    %dma_wait3A_273 = arith.constant 384 : i32
    %dma_wait3A_274 = arith.constant 0 : i32
    %dma_wait3A_275 = tpu.memref_slice %arg6[%dma_wait3A_273, %dma_wait3A_274] : memref<512x128xf32, #tpu.memory_space<vmem>> -> memref<64x128xf32, #tpu.memory_space<vmem>>
    %dma_wait3A_276 = arith.constant 0 : i32
    %dma_wait3A_277 = tpu.memref_slice %arg5[%dma_wait3A_271, %dma_wait3A_276] : memref<8x64xi32, #tpu.memory_space<vmem>> -> memref<1x64xi32, #tpu.memory_space<vmem>>
    %dma_wait3A_278 = tpu.memref_squeeze %dma_wait3A_277 : memref<1x64xi32, #tpu.memory_space<vmem>> -> memref<64xi32, #tpu.memory_space<vmem>>
    %dma_wait3A_279 = arith.constant 0 : i32
    %dma_wait3A_280 = arith.constant 0 : i32
    %dma_wait3A_281 = tpu.memref_slice %arg7[%dma_wait3A_279, %dma_wait3A_280] : memref<1000x128xf32, #tpu.memory_space<vmem_shared>> -> memref<1000x128xf32, #tpu.memory_space<vmem_shared>>
    %dma_wait3A_282 = tpu.memref_slice %arg8[%dma_wait3A_272] : memref<8x!tpu.dma_semaphore, #tpu.memory_space<semaphore_mem>> -> memref<1x!tpu.dma_semaphore, #tpu.memory_space<semaphore_mem>>
    %dma_wait3A_283 = tpu.memref_squeeze %dma_wait3A_282 : memref<1x!tpu.dma_semaphore, #tpu.memory_space<semaphore_mem>> -> memref<!tpu.dma_semaphore, #tpu.memory_space<semaphore_mem>>
    tpu.wait_indirect_dma semaphore(%dma_wait3A_283 : memref<!tpu.dma_semaphore, #tpu.memory_space<semaphore_mem>>) src(%dma_wait3A_281 : memref<1000x128xf32, #tpu.memory_space<vmem_shared>>) dst(%dma_wait3A_275 : memref<64x128xf32, #tpu.memory_space<vmem>>)
    %add3A_284 = arith.constant 384 : i32
    %add3A_285 = arith.addi %mul3A_2, %add3A_284 : i32
    %dma_start3A_286 = arith.constant 384 : i32
    %dma_start3A_287 = arith.constant 0 : i32
    %dma_start3A_288 = tpu.memref_slice %arg6[%dma_start3A_286, %dma_start3A_287] : memref<512x128xf32, #tpu.memory_space<vmem>> -> memref<64x128xf32, #tpu.memory_space<vmem>>
    %dma_start3A_289 = arith.constant 0 : i32
    %dma_start3A_290 = tpu.memref_slice %arg4[%add3A_285, %dma_start3A_289] : memref<16384x128xf32, #tpu.memory_space<hbm>> -> memref<64x128xf32, #tpu.memory_space<hbm>>
    %dma_start3A_291 = arith.constant 0 : i32
    %dma_start3A_292 = tpu.memref_slice %arg4[%add3A_285, %dma_start3A_291] : memref<16384x128xf32, #tpu.memory_space<hbm>> -> memref<64x128xf32, #tpu.memory_space<hbm>>
    %dma_start3A_293 = arith.constant 384 : i32
    %dma_start3A_294 = arith.constant 0 : i32
    %dma_start3A_295 = tpu.memref_slice %arg6[%dma_start3A_293, %dma_start3A_294] : memref<512x128xf32, #tpu.memory_space<vmem>> -> memref<64x128xf32, #tpu.memory_space<vmem>>
    tpu.enqueue_dma source(%dma_start3A_295 : memref<64x128xf32, #tpu.memory_space<vmem>>) target(%dma_start3A_292 : memref<64x128xf32, #tpu.memory_space<hbm>>) target_semaphore(%arg9 : memref<!tpu.dma_semaphore, #tpu.memory_space<semaphore_mem>>)
    %dma_wait3A_296 = arith.constant 7 : i32
    %dma_wait3A_297 = arith.constant 7 : i32
    %dma_wait3A_298 = arith.constant 448 : i32
    %dma_wait3A_299 = arith.constant 0 : i32
    %dma_wait3A_300 = tpu.memref_slice %arg6[%dma_wait3A_298, %dma_wait3A_299] : memref<512x128xf32, #tpu.memory_space<vmem>> -> memref<64x128xf32, #tpu.memory_space<vmem>>
    %dma_wait3A_301 = arith.constant 0 : i32
    %dma_wait3A_302 = tpu.memref_slice %arg5[%dma_wait3A_296, %dma_wait3A_301] : memref<8x64xi32, #tpu.memory_space<vmem>> -> memref<1x64xi32, #tpu.memory_space<vmem>>
    %dma_wait3A_303 = tpu.memref_squeeze %dma_wait3A_302 : memref<1x64xi32, #tpu.memory_space<vmem>> -> memref<64xi32, #tpu.memory_space<vmem>>
    %dma_wait3A_304 = arith.constant 0 : i32
    %dma_wait3A_305 = arith.constant 0 : i32
    %dma_wait3A_306 = tpu.memref_slice %arg7[%dma_wait3A_304, %dma_wait3A_305] : memref<1000x128xf32, #tpu.memory_space<vmem_shared>> -> memref<1000x128xf32, #tpu.memory_space<vmem_shared>>
    %dma_wait3A_307 = tpu.memref_slice %arg8[%dma_wait3A_297] : memref<8x!tpu.dma_semaphore, #tpu.memory_space<semaphore_mem>> -> memref<1x!tpu.dma_semaphore, #tpu.memory_space<semaphore_mem>>
    %dma_wait3A_308 = tpu.memref_squeeze %dma_wait3A_307 : memref<1x!tpu.dma_semaphore, #tpu.memory_space<semaphore_mem>> -> memref<!tpu.dma_semaphore, #tpu.memory_space<semaphore_mem>>
    tpu.wait_indirect_dma semaphore(%dma_wait3A_308 : memref<!tpu.dma_semaphore, #tpu.memory_space<semaphore_mem>>) src(%dma_wait3A_306 : memref<1000x128xf32, #tpu.memory_space<vmem_shared>>) dst(%dma_wait3A_300 : memref<64x128xf32, #tpu.memory_space<vmem>>)
    %add3A_309 = arith.constant 448 : i32
    %add3A_310 = arith.addi %mul3A_2, %add3A_309 : i32
    %dma_start3A_311 = arith.constant 448 : i32
    %dma_start3A_312 = arith.constant 0 : i32
    %dma_start3A_313 = tpu.memref_slice %arg6[%dma_start3A_311, %dma_start3A_312] : memref<512x128xf32, #tpu.memory_space<vmem>> -> memref<64x128xf32, #tpu.memory_space<vmem>>
    %dma_start3A_314 = arith.constant 0 : i32
    %dma_start3A_315 = tpu.memref_slice %arg4[%add3A_310, %dma_start3A_314] : memref<16384x128xf32, #tpu.memory_space<hbm>> -> memref<64x128xf32, #tpu.memory_space<hbm>>
    %dma_start3A_316 = arith.constant 0 : i32
    %dma_start3A_317 = tpu.memref_slice %arg4[%add3A_310, %dma_start3A_316] : memref<16384x128xf32, #tpu.memory_space<hbm>> -> memref<64x128xf32, #tpu.memory_space<hbm>>
    %dma_start3A_318 = arith.constant 448 : i32
    %dma_start3A_319 = arith.constant 0 : i32
    %dma_start3A_320 = tpu.memref_slice %arg6[%dma_start3A_318, %dma_start3A_319] : memref<512x128xf32, #tpu.memory_space<vmem>> -> memref<64x128xf32, #tpu.memory_space<vmem>>
    tpu.enqueue_dma source(%dma_start3A_320 : memref<64x128xf32, #tpu.memory_space<vmem>>) target(%dma_start3A_317 : memref<64x128xf32, #tpu.memory_space<hbm>>) target_semaphore(%arg9 : memref<!tpu.dma_semaphore, #tpu.memory_space<semaphore_mem>>)
    %dma_wait3A_321 = arith.constant 0 : i32
    %dma_wait3A_322 = arith.constant 0 : i32
    %dma_wait3A_323 = tpu.memref_slice %arg6[%dma_wait3A_321, %dma_wait3A_322] : memref<512x128xf32, #tpu.memory_space<vmem>> -> memref<64x128xf32, #tpu.memory_space<vmem>>
    %dma_wait3A_324 = arith.constant 0 : i32
    %dma_wait3A_325 = tpu.memref_slice %arg4[%add3A_135, %dma_wait3A_324] : memref<16384x128xf32, #tpu.memory_space<hbm>> -> memref<64x128xf32, #tpu.memory_space<hbm>>
    %dma_wait3A_326 = arith.constant 0 : i32
    %dma_wait3A_327 = tpu.memref_slice %arg4[%add3A_135, %dma_wait3A_326] : memref<16384x128xf32, #tpu.memory_space<hbm>> -> memref<64x128xf32, #tpu.memory_space<hbm>>
    %dma_wait3A_328 = arith.constant 0 : i32
    %dma_wait3A_329 = arith.constant 0 : i32
    %dma_wait3A_330 = tpu.memref_slice %arg6[%dma_wait3A_328, %dma_wait3A_329] : memref<512x128xf32, #tpu.memory_space<vmem>> -> memref<64x128xf32, #tpu.memory_space<vmem>>
    tpu.wait_dma2 semaphore(%arg9 : memref<!tpu.dma_semaphore, #tpu.memory_space<semaphore_mem>>) src(%dma_wait3A_330 : memref<64x128xf32, #tpu.memory_space<vmem>>) dst(%dma_wait3A_327 : memref<64x128xf32, #tpu.memory_space<hbm>>)
    %dma_wait3A_331 = arith.constant 64 : i32
    %dma_wait3A_332 = arith.constant 0 : i32
    %dma_wait3A_333 = tpu.memref_slice %arg6[%dma_wait3A_331, %dma_wait3A_332] : memref<512x128xf32, #tpu.memory_space<vmem>> -> memref<64x128xf32, #tpu.memory_space<vmem>>
    %dma_wait3A_334 = arith.constant 0 : i32
    %dma_wait3A_335 = tpu.memref_slice %arg4[%add3A_160, %dma_wait3A_334] : memref<16384x128xf32, #tpu.memory_space<hbm>> -> memref<64x128xf32, #tpu.memory_space<hbm>>
    %dma_wait3A_336 = arith.constant 0 : i32
    %dma_wait3A_337 = tpu.memref_slice %arg4[%add3A_160, %dma_wait3A_336] : memref<16384x128xf32, #tpu.memory_space<hbm>> -> memref<64x128xf32, #tpu.memory_space<hbm>>
    %dma_wait3A_338 = arith.constant 64 : i32
    %dma_wait3A_339 = arith.constant 0 : i32
    %dma_wait3A_340 = tpu.memref_slice %arg6[%dma_wait3A_338, %dma_wait3A_339] : memref<512x128xf32, #tpu.memory_space<vmem>> -> memref<64x128xf32, #tpu.memory_space<vmem>>
    tpu.wait_dma2 semaphore(%arg9 : memref<!tpu.dma_semaphore, #tpu.memory_space<semaphore_mem>>) src(%dma_wait3A_340 : memref<64x128xf32, #tpu.memory_space<vmem>>) dst(%dma_wait3A_337 : memref<64x128xf32, #tpu.memory_space<hbm>>)
    %dma_wait3A_341 = arith.constant 128 : i32
    %dma_wait3A_342 = arith.constant 0 : i32
    %dma_wait3A_343 = tpu.memref_slice %arg6[%dma_wait3A_341, %dma_wait3A_342] : memref<512x128xf32, #tpu.memory_space<vmem>> -> memref<64x128xf32, #tpu.memory_space<vmem>>
    %dma_wait3A_344 = arith.constant 0 : i32
    %dma_wait3A_345 = tpu.memref_slice %arg4[%add3A_185, %dma_wait3A_344] : memref<16384x128xf32, #tpu.memory_space<hbm>> -> memref<64x128xf32, #tpu.memory_space<hbm>>
    %dma_wait3A_346 = arith.constant 0 : i32
    %dma_wait3A_347 = tpu.memref_slice %arg4[%add3A_185, %dma_wait3A_346] : memref<16384x128xf32, #tpu.memory_space<hbm>> -> memref<64x128xf32, #tpu.memory_space<hbm>>
    %dma_wait3A_348 = arith.constant 128 : i32
    %dma_wait3A_349 = arith.constant 0 : i32
    %dma_wait3A_350 = tpu.memref_slice %arg6[%dma_wait3A_348, %dma_wait3A_349] : memref<512x128xf32, #tpu.memory_space<vmem>> -> memref<64x128xf32, #tpu.memory_space<vmem>>
    tpu.wait_dma2 semaphore(%arg9 : memref<!tpu.dma_semaphore, #tpu.memory_space<semaphore_mem>>) src(%dma_wait3A_350 : memref<64x128xf32, #tpu.memory_space<vmem>>) dst(%dma_wait3A_347 : memref<64x128xf32, #tpu.memory_space<hbm>>)
    %dma_wait3A_351 = arith.constant 192 : i32
    %dma_wait3A_352 = arith.constant 0 : i32
    %dma_wait3A_353 = tpu.memref_slice %arg6[%dma_wait3A_351, %dma_wait3A_352] : memref<512x128xf32, #tpu.memory_space<vmem>> -> memref<64x128xf32, #tpu.memory_space<vmem>>
    %dma_wait3A_354 = arith.constant 0 : i32
    %dma_wait3A_355 = tpu.memref_slice %arg4[%add3A_210, %dma_wait3A_354] : memref<16384x128xf32, #tpu.memory_space<hbm>> -> memref<64x128xf32, #tpu.memory_space<hbm>>
    %dma_wait3A_356 = arith.constant 0 : i32
    %dma_wait3A_357 = tpu.memref_slice %arg4[%add3A_210, %dma_wait3A_356] : memref<16384x128xf32, #tpu.memory_space<hbm>> -> memref<64x128xf32, #tpu.memory_space<hbm>>
    %dma_wait3A_358 = arith.constant 192 : i32
    %dma_wait3A_359 = arith.constant 0 : i32
    %dma_wait3A_360 = tpu.memref_slice %arg6[%dma_wait3A_358, %dma_wait3A_359] : memref<512x128xf32, #tpu.memory_space<vmem>> -> memref<64x128xf32, #tpu.memory_space<vmem>>
    tpu.wait_dma2 semaphore(%arg9 : memref<!tpu.dma_semaphore, #tpu.memory_space<semaphore_mem>>) src(%dma_wait3A_360 : memref<64x128xf32, #tpu.memory_space<vmem>>) dst(%dma_wait3A_357 : memref<64x128xf32, #tpu.memory_space<hbm>>)
    %dma_wait3A_361 = arith.constant 256 : i32
    %dma_wait3A_362 = arith.constant 0 : i32
    %dma_wait3A_363 = tpu.memref_slice %arg6[%dma_wait3A_361, %dma_wait3A_362] : memref<512x128xf32, #tpu.memory_space<vmem>> -> memref<64x128xf32, #tpu.memory_space<vmem>>
    %dma_wait3A_364 = arith.constant 0 : i32
    %dma_wait3A_365 = tpu.memref_slice %arg4[%add3A_235, %dma_wait3A_364] : memref<16384x128xf32, #tpu.memory_space<hbm>> -> memref<64x128xf32, #tpu.memory_space<hbm>>
    %dma_wait3A_366 = arith.constant 0 : i32
    %dma_wait3A_367 = tpu.memref_slice %arg4[%add3A_235, %dma_wait3A_366] : memref<16384x128xf32, #tpu.memory_space<hbm>> -> memref<64x128xf32, #tpu.memory_space<hbm>>
    %dma_wait3A_368 = arith.constant 256 : i32
    %dma_wait3A_369 = arith.constant 0 : i32
    %dma_wait3A_370 = tpu.memref_slice %arg6[%dma_wait3A_368, %dma_wait3A_369] : memref<512x128xf32, #tpu.memory_space<vmem>> -> memref<64x128xf32, #tpu.memory_space<vmem>>
    tpu.wait_dma2 semaphore(%arg9 : memref<!tpu.dma_semaphore, #tpu.memory_space<semaphore_mem>>) src(%dma_wait3A_370 : memref<64x128xf32, #tpu.memory_space<vmem>>) dst(%dma_wait3A_367 : memref<64x128xf32, #tpu.memory_space<hbm>>)
    %dma_wait3A_371 = arith.constant 320 : i32
    %dma_wait3A_372 = arith.constant 0 : i32
    %dma_wait3A_373 = tpu.memref_slice %arg6[%dma_wait3A_371, %dma_wait3A_372] : memref<512x128xf32, #tpu.memory_space<vmem>> -> memref<64x128xf32, #tpu.memory_space<vmem>>
    %dma_wait3A_374 = arith.constant 0 : i32
    %dma_wait3A_375 = tpu.memref_slice %arg4[%add3A_260, %dma_wait3A_374] : memref<16384x128xf32, #tpu.memory_space<hbm>> -> memref<64x128xf32, #tpu.memory_space<hbm>>
    %dma_wait3A_376 = arith.constant 0 : i32
    %dma_wait3A_377 = tpu.memref_slice %arg4[%add3A_260, %dma_wait3A_376] : memref<16384x128xf32, #tpu.memory_space<hbm>> -> memref<64x128xf32, #tpu.memory_space<hbm>>
    %dma_wait3A_378 = arith.constant 320 : i32
    %dma_wait3A_379 = arith.constant 0 : i32
    %dma_wait3A_380 = tpu.memref_slice %arg6[%dma_wait3A_378, %dma_wait3A_379] : memref<512x128xf32, #tpu.memory_space<vmem>> -> memref<64x128xf32, #tpu.memory_space<vmem>>
    tpu.wait_dma2 semaphore(%arg9 : memref<!tpu.dma_semaphore, #tpu.memory_space<semaphore_mem>>) src(%dma_wait3A_380 : memref<64x128xf32, #tpu.memory_space<vmem>>) dst(%dma_wait3A_377 : memref<64x128xf32, #tpu.memory_space<hbm>>)
    %dma_wait3A_381 = arith.constant 384 : i32
    %dma_wait3A_382 = arith.constant 0 : i32
    %dma_wait3A_383 = tpu.memref_slice %arg6[%dma_wait3A_381, %dma_wait3A_382] : memref<512x128xf32, #tpu.memory_space<vmem>> -> memref<64x128xf32, #tpu.memory_space<vmem>>
    %dma_wait3A_384 = arith.constant 0 : i32
    %dma_wait3A_385 = tpu.memref_slice %arg4[%add3A_285, %dma_wait3A_384] : memref<16384x128xf32, #tpu.memory_space<hbm>> -> memref<64x128xf32, #tpu.memory_space<hbm>>
    %dma_wait3A_386 = arith.constant 0 : i32
    %dma_wait3A_387 = tpu.memref_slice %arg4[%add3A_285, %dma_wait3A_386] : memref<16384x128xf32, #tpu.memory_space<hbm>> -> memref<64x128xf32, #tpu.memory_space<hbm>>
    %dma_wait3A_388 = arith.constant 384 : i32
    %dma_wait3A_389 = arith.constant 0 : i32
    %dma_wait3A_390 = tpu.memref_slice %arg6[%dma_wait3A_388, %dma_wait3A_389] : memref<512x128xf32, #tpu.memory_space<vmem>> -> memref<64x128xf32, #tpu.memory_space<vmem>>
    tpu.wait_dma2 semaphore(%arg9 : memref<!tpu.dma_semaphore, #tpu.memory_space<semaphore_mem>>) src(%dma_wait3A_390 : memref<64x128xf32, #tpu.memory_space<vmem>>) dst(%dma_wait3A_387 : memref<64x128xf32, #tpu.memory_space<hbm>>)
    %dma_wait3A_391 = arith.constant 448 : i32
    %dma_wait3A_392 = arith.constant 0 : i32
    %dma_wait3A_393 = tpu.memref_slice %arg6[%dma_wait3A_391, %dma_wait3A_392] : memref<512x128xf32, #tpu.memory_space<vmem>> -> memref<64x128xf32, #tpu.memory_space<vmem>>
    %dma_wait3A_394 = arith.constant 0 : i32
    %dma_wait3A_395 = tpu.memref_slice %arg4[%add3A_310, %dma_wait3A_394] : memref<16384x128xf32, #tpu.memory_space<hbm>> -> memref<64x128xf32, #tpu.memory_space<hbm>>
    %dma_wait3A_396 = arith.constant 0 : i32
    %dma_wait3A_397 = tpu.memref_slice %arg4[%add3A_310, %dma_wait3A_396] : memref<16384x128xf32, #tpu.memory_space<hbm>> -> memref<64x128xf32, #tpu.memory_space<hbm>>
    %dma_wait3A_398 = arith.constant 448 : i32
    %dma_wait3A_399 = arith.constant 0 : i32
    %dma_wait3A_400 = tpu.memref_slice %arg6[%dma_wait3A_398, %dma_wait3A_399] : memref<512x128xf32, #tpu.memory_space<vmem>> -> memref<64x128xf32, #tpu.memory_space<vmem>>
    tpu.wait_dma2 semaphore(%arg9 : memref<!tpu.dma_semaphore, #tpu.memory_space<semaphore_mem>>) src(%dma_wait3A_400 : memref<64x128xf32, #tpu.memory_space<vmem>>) dst(%dma_wait3A_397 : memref<64x128xf32, #tpu.memory_space<hbm>>)
    return
  }
}

</mosaic_0001>

<sc_bundles>
// kernel: _gather.3.cloned.1.call-start
scs
__scs_entry_jumppad:
0x0: {  	(pc) =	sbr.rel $0x88, $3  }
0x1: {  	(tag) =	ssettag $0x0;
	lr =	simm.s32 $0x1  }
0x2: {  	[smem:$0x3F9F] =	sst lr;
	_ =	strace $0xD0000000  }
0x3: {  	_ = 	snop  }
0x4: {  	_ = 	snop  }
0x5: {  	_ = 	snop  }
0x6: {  	_ = 	snop  }
0x7: {  	_ = 	snop  }
__scs_overlays_trampoline_lowered:
0x8: {  	[smem:$0x3FAE] =	sst s0  }
0x9: {  	[smem:$0x3FAF] =	sst s1  }
0xa: {  	[smem:$0x3FB0] =	sst s2  }
0xb: {  	[smem:$0x3FB1] =	sst s3  }
0xc: {  	[smem:$0x3FB2] =	sst s4  }
0xd: {  	[smem:$0x3FB3] =	sst s5  }
0xe: {  	[smem:$0x3FB4] =	sst s6  }
0xf: {  	[smem:$0x3FB5] =	sst s7  }
0x10: {  	[smem:$0x3FB6] =	sst s8  }
0x11: {  	[smem:$0x3FB7] =	sst s9;
	s0 =	simm.s32 @!p0 $0x0  }
0x12: {  	s1 =	sld [smem:$0x3F9D];
	s0 =	simm.s32 @p0 $0x1  }
0x13: {  	[smem:$0x3FB8] =	sst s0;
	s0 =	simm.s32 @!p1 $0x0  }
0x14: {  	s2 =	sld [smem:$0x3F9C];
	s0 =	simm.s32 @p1 $0x1  }
0x15: {  	[smem:$0x3FB9] =	sst s0;
	s0 =	simm.s32 @!p2 $0x0  }
0x16: {  	s3 =	sld [smem:$0x3FDB];
	s0 =	simm.s32 @p2 $0x1  }
0x17: {  	s4 =	simm.s32 $0x1BF5;
	[smem:$0x3FBB] =	sst s0  }
0x18: {  	s0 =	sld [smem:$0x3F9E];
	_ =	swait.ge [sflag:s4], $0x0  }
0x19: {  	s7 =	sld [smem:$0x3F9F]  }
0x1a: {  	s8 =	sadd.s32 $0xFFFFE003, lr  }
0x1b: {  	s9 =	sadd.s32 $0xFFFFFEF7, lr;
	s5 =	simm.s32 $0xFFFFFFFF;
	p2 =	slt.u32 s8, $0xFFFFF086  }
0x1c: {  	p1 =	slt.u32 s9, $0xF7A;
	s5 =	simm.s32 @!p2 $0x0  }
0x1d: {  	s5 =	simm.s32 @p1 $0x1;
	p0 =	seq.s32 s7, s2  }
0x1e: {  	s7 =	smul.u32 @!p0 $0xF7A, s2;
	p2 =	seq.s32 @!p0 s5, $0x0  }
0x1f: {  	s9 =	smul.u32 $0xF7A, s1;
	s8 =	simm.s32 @!p0 $0x1BF5;
	p2 =	por !p2, p0  }
0x20: {  	[sflag:s8] =	ssyncset.s32 @!p0 $0xFFFFF086;
	s6 =	sadd.s32 @!p0 s3, s7;
	s7 =	simm.s32 @!p0 $0x108  }
0x21: {  	s3 =	sadd.s32 s3, s9;
	s6 =	sadd.s32 @!p0 $0x88, s6;
	s7 =	simm.s32 @p2 $0x1082  }
0x22: {  	[simem:s7], [sflag:s8] =	dma.local @!p0 [hbm:s6], $0xF7A  }
0x23: {  	s9 =	sor.u32 $0xD0000000, s2;
	s6 =	simm.s32 $0x108;
	_ =	swait.ge @!p0 [sflag:s8], $0x0  }
0x24: {  	s3 =	sadd.s32 $0x88, s3;
	s6 =	simm.s32 @!p1 $0x1082;
	[sflag:s4] =	ssyncset.s32 $0xFFFFF086  }
0x25: {  	[simem:s6], [sflag:s4] =	dma.local [hbm:s3], $0xF7A  }
0x26: {  	[smem:$0x3F9F] =	sst s1;
	(tag) =	ssettag s2;
	_ =	strace s9  }
0x27: {  	s1 =	sld [smem:$0x3FAF]  }
0x28: {  	s2 =	sld [smem:$0x3FB0]  }
0x29: {  	s4 =	sld [smem:$0x3FB2]  }
0x2a: {  	p0 =	seq.s32 s5, $0x0;
	s5 =	sld [smem:$0x3FB3]  }
0x2b: {  	s6 =	sld [smem:$0x3FB4]  }
0x2c: {  	s7 =	sld [smem:$0x3FB5]  }
0x2d: {  	s3 =	simm.s32 $0x108;
	s8 =	sld [smem:$0x3FB6]  }
0x2e: {  	s3 =	simm.s32 @!p0 $0x1082;
	s9 =	sld [smem:$0x3FB7]  }
0x2f: {  	lr =	sadd.s32 s0, s3;
	s0 =	sld [smem:$0x3FAE]  }
0x30: {  	s3 =	sld [smem:$0x3FB1]  }
0x31: {  	[smem:$0x3FBA] =	sst s10  }
0x32: {  	s10 =	sld [smem:$0x3FB8];
	_ =	sdelay $0x3  }
0x33: {  	p0 =	seq.s32 s10, $0x1;
	s10 =	sld [smem:$0x3FBA];
	_ =	sdelay $0x3  }
0x34: {  	[smem:$0x3FBA] =	sst s10  }
0x35: {  	s10 =	sld [smem:$0x3FB9];
	_ =	sdelay $0x3  }
0x36: {  	p1 =	seq.s32 s10, $0x1;
	s10 =	sld [smem:$0x3FBA];
	_ =	sdelay $0x3  }
0x37: {  	[smem:$0x3FBA] =	sst s10  }
0x38: {  	s10 =	sld [smem:$0x3FBB]  }
0x39: {  	_ = 	snop;
	(pc) =	sbr.ind lr, $3  }
0x3a: {  	_ = 	snop  }
0x3b: {  	_ = 	snop  }
0x3c: {  	p2 =	seq.s32 s10, $0x1;
	s10 =	sld [smem:$0x3FBA]  }
0x3d: {  	_ =	shalt  }
0x3e: {  	_ =	shalt  }
0x3f: {  	_ =	shalt  }
0x40: {  	_ =	shalt  }
0x41: {  	_ =	shalt  }
0x42: {  	_ =	shalt  }
0x43: {  	_ =	shalt  }
0x44: {  	_ =	shalt  }
0x45: {  	_ =	shalt  }
0x46: {  	_ =	shalt  }
0x47: {  	_ =	shalt  }
0x48: {  	_ =	shalt  }
0x49: {  	_ =	shalt  }
0x4a: {  	_ =	shalt  }
0x4b: {  	_ =	shalt  }
0x4c: {  	_ =	shalt  }
0x4d: {  	_ =	shalt  }
0x4e: {  	_ =	shalt  }
0x4f: {  	_ =	shalt  }
0x50: {  	_ =	shalt  }
0x51: {  	_ =	shalt  }
0x52: {  	_ =	shalt  }
0x53: {  	_ =	shalt  }
0x54: {  	_ =	shalt  }
0x55: {  	_ =	shalt  }
0x56: {  	_ =	shalt  }
0x57: {  	_ =	shalt  }
0x58: {  	_ =	shalt  }
0x59: {  	_ =	shalt  }
0x5a: {  	_ =	shalt  }
0x5b: {  	_ =	shalt  }
0x5c: {  	_ =	shalt  }
0x5d: {  	_ =	shalt  }
0x5e: {  	_ =	shalt  }
0x5f: {  	_ =	shalt  }
0x60: {  	_ =	shalt  }
0x61: {  	_ =	shalt  }
0x62: {  	_ =	shalt  }
0x63: {  	_ =	shalt  }
0x64: {  	_ =	shalt  }
0x65: {  	_ =	shalt  }
0x66: {  	_ =	shalt  }
0x67: {  	_ =	shalt  }
0x68: {  	_ =	shalt  }
0x69: {  	_ =	shalt  }
0x6a: {  	_ =	shalt  }
0x6b: {  	_ =	shalt  }
0x6c: {  	_ =	shalt  }
0x6d: {  	_ =	shalt  }
0x6e: {  	_ =	shalt  }
0x6f: {  	_ =	shalt  }
0x70: {  	_ =	shalt  }
0x71: {  	_ =	shalt  }
0x72: {  	_ =	shalt  }
0x73: {  	_ =	shalt  }
0x74: {  	_ =	shalt  }
0x75: {  	_ =	shalt  }
0x76: {  	_ =	shalt  }
0x77: {  	_ =	shalt  }
0x78: {  	_ =	shalt  }
0x79: {  	_ =	shalt  }
0x7a: {  	_ =	shalt  }
0x7b: {  	_ =	shalt  }
0x7c: {  	_ =	shalt  }
0x7d: {  	_ =	shalt  }
0x7e: {  	_ =	shalt  }
0x7f: {  	_ =	shalt  }
0x80: {  	_ =	shalt  }
0x81: {  	_ =	shalt  }
0x82: {  	_ =	shalt  }
0x83: {  	_ =	shalt  }
0x84: {  	_ =	shalt  }
0x85: {  	_ =	shalt  }
0x86: {  	_ =	shalt  }
0x87: {  	_ =	shalt  }
.Lfunc_end0:
.L_simem_size_0:
called_computation_lowered:
.L_overlay_start_0:
0x88: {  	s2 =	sld [smem:$0x3FD9]  }
0x89: {  	s3 =	sld [smem:$0x3FFE];
	_ =	sdelay $0x1  }
0x8a: {  	s1 =	srdreg.scid  }
0x8b: {  	s0 =	sand.u32 $0x1, s1  }
0x8c: {  	s17 =	sshll.u32 s0, $0xA;
	s2 =	sadd.s32 s3, s2  }
0x8d: {  	s2 =	sadd.s32 s2, s17  }
0x8e: {  	[smem:$0x3FC6] =	sst s2  }
0x8f: {  	_ = 	snop  }
0x90: {  	s2 =	sld [smem:$0x3FC8]  }
0x91: {  	s18 =	sld [smem:$0x3FD0];
	(tm) =	ssettm $0x1  }
0x92: {  	s4 =	sld [smem:$0x3FFB];
	_ =	sdelay $0x3  }
0x93: {  	_ =	strace s4  }
0x94: {  	s4 =	sld [smem:$0x3FFC];
	_ =	sdelay $0x3  }
0x95: {  	_ =	strace s4  }
0x96: {  	s4 =	sld [smem:$0x3FFD];
	_ =	sdelay $0x3  }
0x97: {  	_ =	strace s4  }
0x98: {  	_ =	strace $0x8FFFFFFF  }
0x99: {  	s19 =	sld [smem:$0x3FDB];
	_ =	sdelay $0x1  }
0x9a: {  	s5 =	simm.s32 $_scs_section_size  }
0x9b: {  	s6 =	simm.s32 $_size__tile_overlayer_lowered;
	s7 =	simm.s32 $_tile_overlayer_lowered  }
0x9c: {  	s22 =	simm.s32 $0x1BFF;
	s21 =	sshll.u32 s7, $0x1;
	s4 =	sadd.s32 s5, s19  }
0x9d: {  	s8 =	simm.s32 $0x0;
	s20 =	sshll.u32 s6, $0x1;
	s6 =	sadd.s32 s21, s4  }
0x9e: {  	[timem:s8], [sflag:s22] =	dma.local [hbm:s6], s20  }
0x9f: {  	_ =	swait.ge [sflag:s22], s20  }
0xa0: {  	s5 =	ssub.s32 $0x0, s20;
	[sflag:s22] =	ssyncset.done $0x0  }
0xa1: {  	[sflag:s22] =	ssyncadd.s32 s5;
	_ =	sdelay $0x1  }
0xa2: {  	s23 =	simm.s32 $0x1B8B  }
0xa3: {  	_ =	swait.ge [sflag:s23], $0x1  }
0xa4: {  	[sflag:s23] =	ssyncset.done $0x0  }
0xa5: {  	s25 =	simm.s32 $0x1B8E;
	s24 =	sld [smem:$0x3FFE];
	[sflag:s23] =	ssyncadd.s32 $0xFFFFFFFF  }
0xa6: {  	s26 =	simm.s32 $execute0_lowered;
	[smem:$0x3FD2] =	sst s25  }
0xa7: {  	s6 =	sshll.u32 s26, $0x1;
	_ =	strace $0x80000046;
	[dreg:$0x1] =	wrdreg $0xFFFFFFFF  }
0xa8: {  	s28 =	simm.s32 $_size_execute0_lowered;
	s4 =	sadd.s32 s4, s6;
	[dreg:$0x0] =	wrdreg $0x0  }
0xa9: {  	s6 =	sshll.u32 s28, $0x1;
	[dreg:$0x2] =	wrdreg s4  }
0xaa: {  	[dreg:$0x3] =	wrdreg s6  }
0xab: {  	[dreg:$0x4] =	wrdreg $0xC0  }
0xac: {  	_ =	task [dreg:s8], $0x5FFFF  }
0xad: {  	[dreg:$0x1] =	wrdreg $0xFFFFFFFF  }
0xae: {  	[dreg:$0x0] =	wrdreg $0x60  }
0xaf: {  	[dreg:$0x2] =	wrdreg s24  }
0xb0: {  	[dreg:$0x3] =	wrdreg s2  }
0xb1: {  	[dreg:$0x4] =	wrdreg s18  }
0xb2: {  	[dreg:$0x5] =	wrdreg $0x104000  }
0xb3: {  	[dreg:$0x6] =	wrdreg $0x9  }
0xb4: {  	_ =	task.clear_ibuf [dreg:s8], $0x7FFFF;
	_ =	strace $0x90000046  }
0xb5: {  	s29 =	simm.s32 $0x9;
	_ =	strace $0x80000048  }
0xb6: {  	_ =	swait.ge [sflag:s29], $0x1  }
0xb7: {  	[sflag:s29] =	ssyncadd.s32 $0xFFFFFFFF  }
0xb8: {  	_ =	strace $0x90000048  }
0xb9: {  	_ =	sfence  }
0xba: {  	s30 =	sld [smem:$0x0];
	_ =	sdelay $0x2  }
0xbb: {  	s31 =	sshll.u32 s1, $0xD;
	s1 =	sshrl.u32 s1, $0x2  }
0xbc: {  	s3 =	sand.u32 $0x4000, s31;
	s1 =	sadd.s32 s1, s30  }
0xbd: {  	s0 =	sor.u32 s3, s0;
	s1 =	sshll.u32 s1, $0x11  }
0xbe: {  	s0 =	sor.u32 s1, s0  }
0xbf: {  	s0 =	sadd.s32 $0x8F2B, s0  }
0xc0: {  	[sflag:s0] =	ssyncadd.remote.s32 $0x1  }
0xc1: {  	_ =	sfence.sel $0xFFFF  }
0xc2: {  	[dreg:$0x0] =	wrdreg $0xFFFFFFFF;
	(pc) =	sbr.abs _section_cstart, $3  }
0xc3: {  	[dreg:$0x1] =	wrdreg $0xFFFFFFFF  }
0xc4: {  	_ =	task.clear_ibuf [dreg:s8], $0x2FFFF;
	_ =	strace $0x9FFFFFFF  }
0xc5: {  	(tm) =	ssettm $0x7FFFFFFF  }
tec
execute0_lowered:
.L_overlay_start_1:
0x0: {  	(tag) =	ssettag $0x1  }
0x1: {  	s4 =	rddreg [dreg:$0x0]  }
0x2: {  	s5 =	rddreg [dreg:$0x1]  }
0x3: {  	s6 =	rddreg [dreg:$0x2]  }
0x4: {  	s1 =	srdreg.scid;
	s0 =	stileid.u32  }
0x5: {  	s2 =	rddreg [dreg:$0x3];
	s3 =	simm.s32 $0x0;
	s25 =	simm.s32 $0x80  }
0x6: {  	s26 =	simm.s32 $0x100;
	s1 =	sand.u32 $0x1, s1;
	s7 =	sshll.u32 s0, $0x1  }
0x7: {  	[smem:$0x7FF] =	sst s3;
	s9 =	sshll.u32 s0, $0xA;
	s7 =	sor.u32 s1, s7  }
0x8: {  	_ =	strace $0x80000047;
	s15 =	sadd.s32 s5, s9;
	[dreg:$0x12] =	wrdreg s25  }
0x9: {  	s5 =	sadd.s32 $0x3C00, s5;
	[dreg:$0x13] =	wrdreg s26;
	s8 =	sshll.u32 s7, $0x7  }
0xa: {  	[dreg:$0x5] =	wrdreg s15;
	s7 =	sshll.u32 s7, $0xD;
	s4 =	sadd.s32 s8, s4  }
0xb: {  	[dreg:$0x6] =	wrdreg s5;
	s16 =	sadd.s32 $0x400, s4;
	s4 =	sadd.s32 s6, s7  }
0xc: {  	[dreg:$0x7] =	wrdreg s16;
	s17 =	sadd.s32 $0x400, s4  }
0xd: {  	s18 =	sadd.s32 $0x800, s4;
	[dreg:$0x8] =	wrdreg s17  }
0xe: {  	s19 =	sadd.s32 $0xC00, s4;
	[dreg:$0x9] =	wrdreg s18  }
0xf: {  	s20 =	sadd.s32 $0x1000, s4;
	[dreg:$0xa] =	wrdreg s19  }
0x10: {  	s22 =	sadd.s32 $0x1400, s4;
	[dreg:$0xb] =	wrdreg s20  }
0x11: {  	p0 =	seq.s32 s0, $0xF;
	s23 =	sadd.s32 $0x1800, s4;
	[dreg:$0xc] =	wrdreg s22  }
0x12: {  	s7 =	sadd.s32 $0x1E000, s2;
	s24 =	sadd.s32 $0x1C00, s4;
	[dreg:$0xd] =	wrdreg s23  }
0x13: {  	s5 =	sshrl.u32 @p0 s7, $0x3;
	[dreg:$0xe] =	wrdreg s24  }
0x14: {  	s21 =	sshll.u32 s0, $0xD;
	s7 =	sshll.u32 @!p0 s0, $0x6;
	[dreg:$0x11] =	wrdreg s5  }
0x15: {  	s0 =	simm.s32 $0x180;
	s5 =	sor.u32 @!p0 $0x1C0A, s7;
	s7 =	rddreg [dreg:$0x6]  }
0x16: {  	[dreg:$0x14] =	wrdreg s0  }
0x17: {  	s6 =	sadd.s32 s21, s2;
	[dreg:$0xf] =	wrdreg s5  }
0x18: {  	s5 =	sshrl.u32 @!p0 s6, $0x3;
	s6 =	rddreg [dreg:$0x11]  }
0x19: {  	s0 =	simm.s32 @p0 $0x1FCA;
	[dreg:$0x10] =	wrdreg s5  }
0x1a: {  	[spmem:s6], [sflag:s0] =	dma.local @p0 [hbm:s7], $0x280  }
0x1b: {  	s6 =	rddreg [dreg:$0x10]  }
0x1c: {  	s7 =	rddreg [dreg:$0x5]  }
0x1d: {  	s8 =	rddreg [dreg:$0xf]  }
0x1e: {  	[spmem:s6], [sflag:s8] =	dma.local @!p0 [hbm:s7], $0x400  }
0x1f: {  	s6 =	simm.s32 $0xB;
	s7 =	rddreg [dreg:$0x7]  }
0x20: {  	[tilespmem:s3], [sflag:$0xB] =	stream.linear.gather [hbm4b:s7+s3], $0x400, $0x38;
	[tilespmem:$0x12340] =	vst v63  }
0x21: {  	_ =	swait.ge [sflag:s6], $0x400  }
0x22: {  	[sflag:s6] =	ssyncset.done $0x0  }
0x23: {  	s7 =	simm.s32 @p0 $0xA;
	[sflag:s6] =	ssyncadd.s32 $0xFFFFFC00  }
0x24: {  	_ =	swait.ge @p0 [sflag:s7], $0x280  }
0x25: {  	[sflag:s7] =	ssyncset.done @p0 $0x0  }
0x26: {  	s8 =	simm.s32 @!p0 $0xA;
	[sflag:s7] =	ssyncadd.s32 @p0 $0xFFFFFD80  }
0x27: {  	_ =	swait.ge @!p0 [sflag:s8], $0x400  }
0x28: {  	[sflag:s8] =	ssyncset.done @!p0 $0x0  }
0x29: {  	[sflag:s8] =	ssyncadd.s32 @!p0 $0xFFFFFC00  }
0x2a: {  	s10 =	simm.s32 $0x400;
	s9 =	simm.s32 $0x40;
	[bflag:$0x0] =	sbarrier.arrive $0xFFFF  }
0x2b: {  	[tilespmem:s10], [sflag:$0x1] =	stream.indirect.gather [spmem:s2], $0x80, s3, s9, $0xb8;
	[tilespmem:$0x12340] =	vst v63  }
0x2c: {  	s11 =	simm.s32 $0x2400;
	s12 =	rddreg [dreg:$0x12]  }
0x2d: {  	[tilespmem:s11], [sflag:$0x2] =	stream.indirect.gather [spmem:s2], $0x80, s12, s9, $0xb8;
	[tilespmem:$0x12340] =	vst v63  }
0x2e: {  	s13 =	rddreg [dreg:$0x13];
	s12 =	simm.s32 $0x4400  }
0x2f: {  	[tilespmem:s12], [sflag:$0x3] =	stream.indirect.gather [spmem:s2], $0x80, s13, s9, $0xb8;
	[tilespmem:$0x12340] =	vst v63  }
0x30: {  	s14 =	rddreg [dreg:$0x14];
	s13 =	simm.s32 $0x6400  }
0x31: {  	[tilespmem:s13], [sflag:$0x4] =	stream.indirect.gather [spmem:s2], $0x80, s14, s9, $0xb8;
	[tilespmem:$0x12340] =	vst v63  }
0x32: {  	s15 =	simm.s32 $0x8400;
	s5 =	simm.s32 $0x200  }
0x33: {  	[tilespmem:s15], [sflag:$0x5] =	stream.indirect.gather [spmem:s2], $0x80, s5, s9, $0xb8;
	[tilespmem:$0x12340] =	vst v63  }
0x34: {  	s16 =	simm.s32 $0x280;
	s17 =	simm.s32 $0xA400  }
0x35: {  	[tilespmem:s17], [sflag:$0x6] =	stream.indirect.gather [spmem:s2], $0x80, s16, s9, $0xb8;
	[tilespmem:$0x12340] =	vst v63  }
0x36: {  	s18 =	simm.s32 $0x300;
	s19 =	simm.s32 $0xC400  }
0x37: {  	[tilespmem:s19], [sflag:$0x7] =	stream.indirect.gather [spmem:s2], $0x80, s18, s9, $0xb8;
	[tilespmem:$0x12340] =	vst v63  }
0x38: {  	s21 =	simm.s32 $0xE400;
	s20 =	simm.s32 $0x380;
	s22 =	simm.s32 $0x1  }
0x39: {  	[tilespmem:s21], [sflag:$0x8] =	stream.indirect.gather [spmem:s2], $0x80, s20, s9, $0xb8;
	[tilespmem:$0x12340] =	vst v63  }
0x3a: {  	_ =	swait.ge [sflag:s22], $0x2000  }
0x3b: {  	[sflag:s22] =	ssyncset.done $0x0  }
0x3c: {  	s23 =	simm.s32 $0x2;
	[sflag:s22] =	ssyncadd.s32 $0xFFFFE000  }
0x3d: {  	[hbm4b:s4+s3] =	stream.linear.scatter [tilespmem:s10], [sflag:$0x9], $0x2000, $0x38;
	[tilespmem:$0x12340] =	vst v63  }
0x3e: {  	_ =	swait.ge [sflag:s23], $0x2000  }
0x3f: {  	[sflag:s23] =	ssyncset.done $0x0  }
0x40: {  	s24 =	rddreg [dreg:$0x8];
	[sflag:s23] =	ssyncadd.s32 $0xFFFFE000  }
0x41: {  	[hbm4b:s24+s3] =	stream.linear.scatter [tilespmem:s11], [sflag:$0x9], $0x2000, $0x38;
	[tilespmem:$0x12340] =	vst v63  }
0x42: {  	s24 =	simm.s32 $0x3  }
0x43: {  	_ =	swait.ge [sflag:s24], $0x2000  }
0x44: {  	[sflag:s24] =	ssyncset.done $0x0  }
0x45: {  	s25 =	rddreg [dreg:$0x9];
	[sflag:s24] =	ssyncadd.s32 $0xFFFFE000  }
0x46: {  	[hbm4b:s25+s3] =	stream.linear.scatter [tilespmem:s12], [sflag:$0x9], $0x2000, $0x38;
	[tilespmem:$0x12340] =	vst v63  }
0x47: {  	s25 =	simm.s32 $0x4  }
0x48: {  	_ =	swait.ge [sflag:s25], $0x2000  }
0x49: {  	[sflag:s25] =	ssyncset.done $0x0  }
0x4a: {  	s26 =	rddreg [dreg:$0xa];
	[sflag:s25] =	ssyncadd.s32 $0xFFFFE000  }
0x4b: {  	[hbm4b:s26+s3] =	stream.linear.scatter [tilespmem:s13], [sflag:$0x9], $0x2000, $0x38;
	[tilespmem:$0x12340] =	vst v63  }
0x4c: {  	s26 =	simm.s32 $0x5  }
0x4d: {  	_ =	swait.ge [sflag:s26], $0x2000  }
0x4e: {  	[sflag:s26] =	ssyncset.done $0x0  }
0x4f: {  	s28 =	rddreg [dreg:$0xb];
	[sflag:s26] =	ssyncadd.s32 $0xFFFFE000  }
0x50: {  	[hbm4b:s28+s3] =	stream.linear.scatter [tilespmem:s15], [sflag:$0x9], $0x2000, $0x38;
	[tilespmem:$0x12340] =	vst v63  }
0x51: {  	s28 =	simm.s32 $0x6  }
0x52: {  	_ =	swait.ge [sflag:s28], $0x2000  }
0x53: {  	[sflag:s28] =	ssyncset.done $0x0  }
0x54: {  	s29 =	rddreg [dreg:$0xc];
	[sflag:s28] =	ssyncadd.s32 $0xFFFFE000  }
0x55: {  	[hbm4b:s29+s3] =	stream.linear.scatter [tilespmem:s17], [sflag:$0x9], $0x2000, $0x38;
	[tilespmem:$0x12340] =	vst v63  }
0x56: {  	s29 =	simm.s32 $0x7  }
0x57: {  	_ =	swait.ge [sflag:s29], $0x2000  }
0x58: {  	[sflag:s29] =	ssyncset.done $0x0  }
0x59: {  	s30 =	rddreg [dreg:$0xd];
	[sflag:s29] =	ssyncadd.s32 $0xFFFFE000  }
0x5a: {  	[hbm4b:s30+s3] =	stream.linear.scatter [tilespmem:s19], [sflag:$0x9], $0x2000, $0x38;
	[tilespmem:$0x12340] =	vst v63  }
0x5b: {  	s30 =	simm.s32 $0x8  }
0x5c: {  	_ =	swait.ge [sflag:s30], $0x2000  }
0x5d: {  	[sflag:s30] =	ssyncset.done $0x0  }
0x5e: {  	s31 =	rddreg [dreg:$0xe];
	[sflag:s30] =	ssyncadd.s32 $0xFFFFE000  }
0x5f: {  	[hbm4b:s31+s3] =	stream.linear.scatter [tilespmem:s21], [sflag:$0x9], $0x2000, $0x38;
	[tilespmem:$0x12340] =	vst v63  }
0x60: {  	s31 =	simm.s32 $0x9  }
0x61: {  	_ =	swait.ge [sflag:s31], $0x2000  }
0x62: {  	[sflag:s31] =	ssyncset.done $0x0  }
0x63: {  	[sflag:s31] =	ssyncadd.s32 $0xFFFFE000  }
0x64: {  	_ =	swait.ge [sflag:s31], $0x2000  }
0x65: {  	[sflag:s31] =	ssyncset.done $0x0  }
0x66: {  	[sflag:s31] =	ssyncadd.s32 $0xFFFFE000  }
0x67: {  	_ =	swait.ge [sflag:s31], $0x2000  }
0x68: {  	[sflag:s31] =	ssyncset.done $0x0  }
0x69: {  	[sflag:s31] =	ssyncadd.s32 $0xFFFFE000  }
0x6a: {  	s1 =	ssub.s32 $0x2, s1;
	_ =	swait.ge [sflag:s31], $0x2000  }
0x6b: {  	s14 =	sshrl.u32 s1, $0x1;
	[sflag:s31] =	ssyncset.done $0x0  }
0x6c: {  	s0 =	ssub.s32 s1, s14;
	[sflag:s31] =	ssyncadd.s32 $0xFFFFE000  }
0x6d: {  	s0 =	smax.u32 s0, $0x1;
	_ =	swait.ge [sflag:s31], $0x2000  }
0x6e: {  	s1 =	sadd.s32 $0xFFFFFFFF, s0;
	[sflag:s31] =	ssyncset.done $0x0  }
0x6f: {  	p1 =	sne.s32 s1, $0x0;
	[sflag:s31] =	ssyncadd.s32 $0xFFFFE000  }
.Ltmp0:
0x70: {  	_ =	swait.ge [sflag:s31], $0x2000;
	(pc) =	sbr.rel @!p1 .LBB2_2-.Ltmp0, $4  }
0x71: {  	[sflag:s31] =	ssyncset.done $0x0  }
0x72: {  	[sflag:s31] =	ssyncadd.s32 $0xFFFFE000  }
0x73: {  	_ =	swait.ge [sflag:s31], $0x2000  }
0x74: {  	[sflag:s31] =	ssyncset.done $0x0  }
.LBB2_1:
0x75: {  	[sflag:s31] =	ssyncadd.s32 $0xFFFFE000  }
0x76: {  	_ =	swait.ge [sflag:s31], $0x2000  }
0x77: {  	s0 =	rddreg [dreg:$0x11];
	[sflag:s31] =	ssyncset.done $0x0  }
0x78: {  	s14 =	simm.s32 @p0 $0x1FCA;
	s5 =	rddreg [dreg:$0x6];
	[sflag:s31] =	ssyncadd.s32 $0xFFFFE000  }
0x79: {  	[spmem:s0], [sflag:s14] =	dma.local @p0 [hbm:s5], $0x280  }
0x7a: {  	s0 =	rddreg [dreg:$0x10]  }
0x7b: {  	s5 =	rddreg [dreg:$0x5]  }
0x7c: {  	s14 =	rddreg [dreg:$0xf]  }
0x7d: {  	[spmem:s0], [sflag:s14] =	dma.local @!p0 [hbm:s5], $0x400  }
0x7e: {  	s0 =	rddreg [dreg:$0x7]  }
0x7f: {  	[tilespmem:s3], [sflag:$0xB] =	stream.linear.gather [hbm4b:s0+s3], $0x400, $0x38;
	[tilespmem:$0x12340] =	vst v63  }
0x80: {  	_ =	swait.ge [sflag:s6], $0x400  }
0x81: {  	[sflag:s6] =	ssyncset.done $0x0  }
0x82: {  	[sflag:s6] =	ssyncadd.s32 $0xFFFFFC00  }
0x83: {  	_ =	swait.ge @p0 [sflag:s7], $0x280  }
0x84: {  	[sflag:s7] =	ssyncset.done @p0 $0x0  }
0x85: {  	[sflag:s7] =	ssyncadd.s32 @p0 $0xFFFFFD80  }
0x86: {  	_ =	swait.ge @!p0 [sflag:s8], $0x400  }
0x87: {  	[sflag:s8] =	ssyncset.done @!p0 $0x0  }
0x88: {  	[sflag:s8] =	ssyncadd.s32 @!p0 $0xFFFFFC00  }
0x89: {  	[bflag:$0x0] =	sbarrier.arrive $0xFFFF  }
0x8a: {  	[tilespmem:s10], [sflag:$0x1] =	stream.indirect.gather [spmem:s2], $0x80, s3, s9, $0xb8;
	[tilespmem:$0x12340] =	vst v63  }
0x8b: {  	s0 =	rddreg [dreg:$0x12]  }
0x8c: {  	[tilespmem:s11], [sflag:$0x2] =	stream.indirect.gather [spmem:s2], $0x80, s0, s9, $0xb8;
	[tilespmem:$0x12340] =	vst v63  }
0x8d: {  	s14 =	rddreg [dreg:$0x13]  }
0x8e: {  	[tilespmem:s12], [sflag:$0x3] =	stream.indirect.gather [spmem:s2], $0x80, s14, s9, $0xb8;
	[tilespmem:$0x12340] =	vst v63  }
0x8f: {  	s5 =	rddreg [dreg:$0x14]  }
0x90: {  	[tilespmem:s13], [sflag:$0x4] =	stream.indirect.gather [spmem:s2], $0x80, s5, s9, $0xb8;
	[tilespmem:$0x12340] =	vst v63  }
0x91: {  	s5 =	simm.s32 $0x200  }
0x92: {  	[tilespmem:s15], [sflag:$0x5] =	stream.indirect.gather [spmem:s2], $0x80, s5, s9, $0xb8;
	[tilespmem:$0x12340] =	vst v63  }
0x93: {  	_ = 	snop  }
0x94: {  	[tilespmem:s17], [sflag:$0x6] =	stream.indirect.gather [spmem:s2], $0x80, s16, s9, $0xb8;
	[tilespmem:$0x12340] =	vst v63  }
0x95: {  	_ = 	snop  }
0x96: {  	[tilespmem:s19], [sflag:$0x7] =	stream.indirect.gather [spmem:s2], $0x80, s18, s9, $0xb8;
	[tilespmem:$0x12340] =	vst v63  }
0x97: {  	_ = 	snop  }
0x98: {  	[tilespmem:s21], [sflag:$0x8] =	stream.indirect.gather [spmem:s2], $0x80, s20, s9, $0xb8;
	[tilespmem:$0x12340] =	vst v63  }
0x99: {  	_ =	swait.ge [sflag:s22], $0x2000  }
0x9a: {  	[sflag:s22] =	ssyncset.done $0x0  }
0x9b: {  	[sflag:s22] =	ssyncadd.s32 $0xFFFFE000  }
0x9c: {  	[hbm4b:s4+s3] =	stream.linear.scatter [tilespmem:s10], [sflag:$0x9], $0x2000, $0x38;
	[tilespmem:$0x12340] =	vst v63  }
0x9d: {  	_ =	swait.ge [sflag:s23], $0x2000  }
0x9e: {  	[sflag:s23] =	ssyncset.done $0x0  }
0x9f: {  	s14 =	rddreg [dreg:$0x8];
	[sflag:s23] =	ssyncadd.s32 $0xFFFFE000  }
0xa0: {  	[hbm4b:s14+s3] =	stream.linear.scatter [tilespmem:s11], [sflag:$0x9], $0x2000, $0x38;
	[tilespmem:$0x12340] =	vst v63  }
0xa1: {  	_ =	swait.ge [sflag:s24], $0x2000  }
0xa2: {  	[sflag:s24] =	ssyncset.done $0x0  }
0xa3: {  	s5 =	rddreg [dreg:$0x9];
	[sflag:s24] =	ssyncadd.s32 $0xFFFFE000  }
0xa4: {  	[hbm4b:s5+s3] =	stream.linear.scatter [tilespmem:s12], [sflag:$0x9], $0x2000, $0x38;
	[tilespmem:$0x12340] =	vst v63  }
0xa5: {  	_ =	swait.ge [sflag:s25], $0x2000  }
0xa6: {  	[sflag:s25] =	ssyncset.done $0x0  }
0xa7: {  	s14 =	rddreg [dreg:$0xa];
	[sflag:s25] =	ssyncadd.s32 $0xFFFFE000  }
0xa8: {  	[hbm4b:s14+s3] =	stream.linear.scatter [tilespmem:s13], [sflag:$0x9], $0x2000, $0x38;
	[tilespmem:$0x12340] =	vst v63  }
0xa9: {  	_ =	swait.ge [sflag:s26], $0x2000  }
0xaa: {  	[sflag:s26] =	ssyncset.done $0x0  }
0xab: {  	s5 =	rddreg [dreg:$0xb];
	[sflag:s26] =	ssyncadd.s32 $0xFFFFE000  }
0xac: {  	[hbm4b:s5+s3] =	stream.linear.scatter [tilespmem:s15], [sflag:$0x9], $0x2000, $0x38;
	[tilespmem:$0x12340] =	vst v63  }
0xad: {  	_ =	swait.ge [sflag:s28], $0x2000  }
0xae: {  	[sflag:s28] =	ssyncset.done $0x0  }
0xaf: {  	s14 =	rddreg [dreg:$0xc];
	[sflag:s28] =	ssyncadd.s32 $0xFFFFE000  }
0xb0: {  	[hbm4b:s14+s3] =	stream.linear.scatter [tilespmem:s17], [sflag:$0x9], $0x2000, $0x38;
	[tilespmem:$0x12340] =	vst v63  }
0xb1: {  	_ =	swait.ge [sflag:s29], $0x2000  }
0xb2: {  	[sflag:s29] =	ssyncset.done $0x0  }
0xb3: {  	s5 =	rddreg [dreg:$0xd];
	[sflag:s29] =	ssyncadd.s32 $0xFFFFE000  }
0xb4: {  	[hbm4b:s5+s3] =	stream.linear.scatter [tilespmem:s19], [sflag:$0x9], $0x2000, $0x38;
	[tilespmem:$0x12340] =	vst v63  }
0xb5: {  	_ =	swait.ge [sflag:s30], $0x2000  }
0xb6: {  	[sflag:s30] =	ssyncset.done $0x0  }
0xb7: {  	s14 =	rddreg [dreg:$0xe];
	[sflag:s30] =	ssyncadd.s32 $0xFFFFE000  }
0xb8: {  	[hbm4b:s14+s3] =	stream.linear.scatter [tilespmem:s21], [sflag:$0x9], $0x2000, $0x38;
	[tilespmem:$0x12340] =	vst v63  }
0xb9: {  	_ =	swait.ge [sflag:s31], $0x2000  }
0xba: {  	[sflag:s31] =	ssyncset.done $0x0  }
0xbb: {  	[sflag:s31] =	ssyncadd.s32 $0xFFFFE000  }
0xbc: {  	_ =	swait.ge [sflag:s31], $0x2000  }
0xbd: {  	[sflag:s31] =	ssyncset.done $0x0  }
0xbe: {  	[sflag:s31] =	ssyncadd.s32 $0xFFFFE000  }
0xbf: {  	_ =	swait.ge [sflag:s31], $0x2000  }
0xc0: {  	[sflag:s31] =	ssyncset.done $0x0  }
0xc1: {  	[sflag:s31] =	ssyncadd.s32 $0xFFFFE000  }
0xc2: {  	_ =	swait.ge [sflag:s31], $0x2000  }
0xc3: {  	[sflag:s31] =	ssyncset.done $0x0  }
0xc4: {  	[sflag:s31] =	ssyncadd.s32 $0xFFFFE000  }
0xc5: {  	_ =	swait.ge [sflag:s31], $0x2000  }
0xc6: {  	s1 =	sadd.s32 $0xFFFFFFFF, s1;
	[sflag:s31] =	ssyncset.done $0x0  }
0xc7: {  	p1 =	sne.s32 s1, $0x0;
	[sflag:s31] =	ssyncadd.s32 $0xFFFFE000  }
.Ltmp1:
0xc8: {  	_ =	swait.ge [sflag:s31], $0x2000;
	(pc) =	sbr.rel @p1 .LBB2_1-.Ltmp1, $4  }
0xc9: {  	[sflag:s31] =	ssyncset.done $0x0  }
0xca: {  	[sflag:s31] =	ssyncadd.s32 $0xFFFFE000  }
0xcb: {  	_ =	swait.ge [sflag:s31], $0x2000  }
0xcc: {  	[sflag:s31] =	ssyncset.done $0x0  }
.LBB2_2:
0xcd: {  	[sflag:s31] =	ssyncadd.s32 $0xFFFFE000  }
0xce: {  	_ =	swait.ge [sflag:s31], $0x2000  }
0xcf: {  	[sflag:s31] =	ssyncset.done $0x0  }
0xd0: {  	[sflag:s31] =	ssyncadd.s32 $0xFFFFE000  }
0xd1: {  	_ =	sfence.sel $0x180000  }
0xd2: {  	[bflag:$0x0] =	sbarrier.arrive $0xFFFF  }
0xd3: {  	_ =	strace $0x90000047  }
0xd4: {  	s0 =	stileid.u32;
	[bflag:$0x2] =	sbarrier.arrive $0xFFFF  }
0xd5: {  	p0 =	sne.s32 s0, $0x0;
	s0 =	rddreg [dreg:$0x4]  }
0xd6: {  	s0 =	sadd.s32 @!p0 $0x100000, s0  }
0xd7: {  	[sflag:s0] =	ssyncadd.tile.s32 @!p0 $0x1;
	_ =	shalt  }
.Lfunc_end2:
_tile_overlayer_lowered:
.L_overlay_start_2:
0xd8: {  	(tag) =	ssettag $0x2  }
0xd9: {  	s0 =	rddreg [dreg:$0x0];
	s2 =	stileid.u32  }
0xda: {  	s1 =	rddreg [dreg:$0x1];
	p0 =	sne.s32 s2, $0x0  }
0xdb: {  	s3 =	rddreg [dreg:$0x2];
	[bflag:$0x3] =	sbarrier.arrive $0xFFFF;
	s2 =	simm.s32 @!p0 $0x1C0B  }
0xdc: {  	[timem:s3], [sflag:s2] =	dma.local @!p0 [hbm:s0], s1  }
0xdd: {  	s0 =	simm.s32 @!p0 $0xB  }
0xde: {  	_ =	swait.ge @!p0 [sflag:s0], s1  }
0xdf: {  	s1 =	ssub.s32 @!p0 $0x0, s1;
	[sflag:s0] =	ssyncset.done @!p0 $0x0  }
0xe0: {  	[sflag:s0] =	ssyncadd.s32 @!p0 s1  }
0xe1: {  	[bflag:$0x3] =	sbarrier.arrive $0xFFFF  }
0xe2: {  	_ =	shalt  }

</sc_bundles>
